<compile_context>
chip_gen: v7x
topology: tpu7x:2x2x1
jax: 0.10.2.dev20260603
libtpu: 0.0.44.dev20260713+nightly
codegen_flags: <defaults>
</compile_context>

<pallas_src>
import functools

import jax
import jax.numpy as jnp
from jax import lax
from jax.experimental import pallas as pl
from jax.experimental.pallas import tpu as pltpu
from jax.experimental.pallas import tpu_sc as plsc

N_NODES = 10000
NPAD = 10240
NC, NS = 2, 16
NW = NC * NS
CH = 128
ROWS_PER_TILE = NPAD // NS

_SC_PARAMS = pltpu.CompilerParams(use_tc_tiling_on_sc=False)
_SC_COUNT_PARAMS = pltpu.CompilerParams(use_tc_tiling_on_sc=False,
                                        needs_layout_passes=False)
L = 16


@functools.lru_cache(maxsize=None)
def _counts_kernel(n_ch):
    mesh = plsc.VectorSubcoreMesh(core_axis_name="c", subcore_axis_name="s")

    @functools.partial(
        pl.kernel,
        mesh=mesh,
        compiler_params=_SC_COUNT_PARAMS,
        out_type=jax.ShapeDtypeStruct((2, NC, NS, NPAD), jnp.float32),
        scratch_types=[
            pltpu.VMEM((n_ch, CH), jnp.int32),
            pltpu.VMEM((NPAD,), jnp.float32),
        ],
    )
    def k(dst_hbm, cnt_hbm, dstv, cnt_v):
        cid = lax.axis_index("c")
        sid = lax.axis_index("s")
        wid = sid * NC + cid
        zeros16 = jnp.zeros((L,), jnp.float32)
        ones16 = jnp.ones((L,), jnp.float32)

        for layer in range(2):
            pltpu.sync_copy(dst_hbm.at[layer, wid], dstv)

            @pl.loop(0, NPAD // L)
            def _(i):
                cnt_v[pl.ds(i * L, L)] = zeros16

            @pl.loop(0, n_ch)
            def _(ci):
                for j in range(CH // L):
                    d = dstv[ci, pl.ds(j * L, L)]
                    plsc.addupdate_scatter(cnt_v, [d], ones16)

            pltpu.sync_copy(cnt_v, cnt_hbm.at[layer, cid, sid])

    return k


def _prep_edges(edge_index):
    src, dst = edge_index[0], edge_index[1]
    e = src.shape[0]
    e_pad = -(-e // (NW * CH * 2)) * (NW * CH * 2)
    pad = e_pad - e
    pad_i = N_NODES + (jnp.arange(pad, dtype=jnp.int32) % (NPAD - N_NODES))
    src = jnp.concatenate([src, pad_i])
    dst = jnp.concatenate([dst, pad_i])
    n_ch = e_pad // (NW * CH)
    return src.reshape(NW, n_ch, CH), dst.reshape(NW, n_ch, CH), n_ch


@functools.lru_cache(maxsize=None)
def _segsum_kernel(n_ch, width):
    mesh = plsc.VectorSubcoreMesh(core_axis_name="c", subcore_axis_name="s")

    @functools.partial(
        pl.kernel,
        mesh=mesh,
        compiler_params=_SC_PARAMS,
        out_type=jax.ShapeDtypeStruct((NC, NPAD, width), jnp.float32),
        scratch_types=[
            pltpu.VMEM((n_ch, CH), jnp.int32),
            pltpu.VMEM((1, CH), jnp.int32),
            pltpu.VMEM((1, CH), jnp.int32),
            pltpu.VMEM((CH, width), jnp.float32),
            pltpu.VMEM((CH, width), jnp.float32),
            pltpu.VMEM_SHARED((NPAD, width), jnp.float32),
            pltpu.SemaphoreType.DMA,
            pltpu.SemaphoreType.DMA,
            pltpu.SemaphoreType.DMA,
            pltpu.SemaphoreType.DMA,
        ],
    )
    def k(table_hbm, src_hbm, dst_hbm, z_hbm, acc_hbm, srcv, d_a, d_b,
          rows_a, rows_b, acc, sem_ga, sem_gb, sem_da, sem_db):
        cid = lax.axis_index("c")
        sid = lax.axis_index("s")
        wid = sid * NC + cid
        pltpu.sync_copy(src_hbm.at[wid], srcv)
        row0 = sid * ROWS_PER_TILE
        pltpu.sync_copy(z_hbm, acc.at[pl.ds(row0, ROWS_PER_TILE)])
        plsc.subcore_barrier()

        pltpu.async_copy(dst_hbm.at[wid, 0], d_a, sem_da)
        pltpu.async_copy(dst_hbm.at[wid, 1], d_b, sem_db)
        pltpu.async_copy(table_hbm.at[srcv.at[0]], rows_a, sem_ga)
        pltpu.async_copy(table_hbm.at[srcv.at[1]], rows_b, sem_gb)

        @pl.loop(0, n_ch, step=2)
        def _(ci):
            pltpu.make_async_copy(table_hbm.at[srcv.at[ci]], rows_a, sem_ga).wait()
            pltpu.make_async_copy(dst_hbm.at[wid, ci], d_a, sem_da).wait()
            pltpu.sync_copy(rows_a, acc.at[d_a.at[0]], add=True)

            @pl.when(ci + 2 < n_ch)
            def _():
                pltpu.async_copy(table_hbm.at[srcv.at[ci + 2]], rows_a, sem_ga)
                pltpu.async_copy(dst_hbm.at[wid, ci + 2], d_a, sem_da)

            pltpu.make_async_copy(table_hbm.at[srcv.at[ci + 1]], rows_b, sem_gb).wait()
            pltpu.make_async_copy(dst_hbm.at[wid, ci + 1], d_b, sem_db).wait()
            pltpu.sync_copy(rows_b, acc.at[d_b.at[0]], add=True)

            @pl.when(ci + 3 < n_ch)
            def _():
                pltpu.async_copy(table_hbm.at[srcv.at[ci + 3]], rows_b, sem_gb)
                pltpu.async_copy(dst_hbm.at[wid, ci + 3], d_b, sem_db)

        plsc.subcore_barrier()
        pltpu.sync_copy(acc.at[pl.ds(row0, ROWS_PER_TILE)],
                        acc_hbm.at[cid, pl.ds(row0, ROWS_PER_TILE)])

    return k


def _segsum(table, src3, dst3, n_ch, width):
    zeros = jnp.zeros((ROWS_PER_TILE, width), jnp.float32)
    dst4 = dst3.reshape(NW, n_ch, 1, CH)
    return _segsum_kernel(n_ch, width)(table, src3, dst4, zeros)


def _tc_table1(x, w):
    def body(x_ref, w_ref, o_ref):
        y = jnp.dot(x_ref[...], w_ref[...], preferred_element_type=jnp.float32)
        o_ref[...] = jnp.pad(y, ((0, NPAD - N_NODES), (0, 0)))

    return pl.pallas_call(
        body, out_shape=jax.ShapeDtypeStruct((NPAD, 128), jnp.float32))(x, w)


def _tc_mid(p1, c1, x, w1r, b1, w2l, w2r):
    def body(p_ref, c_ref, x_ref, wr_ref, b_ref, wl2_ref, wr2_ref, t2_ref, hr_ref):
        agg = p_ref[0, :N_NODES] + p_ref[1, :N_NODES]
        cnt = jnp.sum(c_ref[...], axis=0)[:N_NODES]
        cntc = jnp.maximum(cnt, 1.0).reshape(N_NODES, 1)
        h = agg / cntc + b_ref[...] + jnp.dot(
            x_ref[...], wr_ref[...], preferred_element_type=jnp.float32)
        h = jnp.maximum(h, 0.0)
        y2 = jnp.dot(h, wl2_ref[...], preferred_element_type=jnp.float32)
        t2_ref[...] = jnp.pad(y2, ((0, NPAD - N_NODES), (0, 0)))
        hr_ref[...] = jnp.dot(h, wr2_ref[...], preferred_element_type=jnp.float32)

    return pl.pallas_call(
        body,
        out_shape=[jax.ShapeDtypeStruct((NPAD, 64), jnp.float32),
                   jax.ShapeDtypeStruct((N_NODES, 64), jnp.float32)],
    )(p1, c1.reshape(NC * NS, NPAD), x, w1r, b1.reshape(1, -1), w2l, w2r)


def _tc_out(p2, c2, hr, b2):
    def body(p_ref, c_ref, hr_ref, b_ref, o_ref):
        agg = p_ref[0, :N_NODES, :64] + p_ref[1, :N_NODES, :64]
        cnt = jnp.sum(c_ref[...], axis=0)[:N_NODES]
        cntc = jnp.maximum(cnt, 1.0).reshape(N_NODES, 1)
        o_ref[...] = agg / cntc + b_ref[...] + hr_ref[...]

    return pl.pallas_call(
        body, out_shape=jax.ShapeDtypeStruct((N_NODES, 64), jnp.float32))(
            p2, c2.reshape(NC * NS, NPAD), hr, b2.reshape(1, -1))


def kernel(x, edge_index1, edge_index2, W1_l, W1_r, b1, W2_l, W2_r, b2):
    src1, dst1, n1 = _prep_edges(edge_index1)
    src2, dst2, n2 = _prep_edges(edge_index2)
    cnt_all = _counts_kernel(n1)(jnp.stack([dst1, dst2]))
    t1 = _tc_table1(x, W1_l)
    p1 = _segsum(t1, src1, dst1, n1, 128)
    t2, hr = _tc_mid(p1, cnt_all[0], x, W1_r, b1, W2_l, W2_r)
    p2 = _segsum(t2, src2, dst2, n2, 64)
    return _tc_out(p2, cnt_all[1], hr, b2)

# --- scband reference (transcript-rebuilt; emitter-appended) ---
"""Pipeline reference for scband-sage-24068996727249 (READ-ONLY COPY).

The authoritative reference and input builder live on the scoring server;
editing this copy changes nothing except your own understanding.
"""

import jax, jax.numpy as jnp
import numpy as np

N = 10000
E = 320000
D = 128
H = 128
C = 64


def setup_inputs(seed: int = 0) -> dict:
    key = jax.random.key(seed)
    ks = jax.random.split(key, 10)
    x = jax.random.normal(ks[0], (N, D), dtype=jnp.float32)
    edge_index1 = jax.random.randint(ks[1], (2, E), 0, N, dtype=jnp.int32)
    edge_index2 = jax.random.randint(ks[2], (2, E), 0, N, dtype=jnp.int32)
    s1 = 1.0 / np.sqrt(D)
    s2 = 1.0 / np.sqrt(H)
    W1_l = jax.random.uniform(ks[3], (D, H), dtype=jnp.float32, minval=-s1, maxval=s1)
    W1_r = jax.random.uniform(ks[4], (D, H), dtype=jnp.float32, minval=-s1, maxval=s1)
    b1 = jax.random.uniform(ks[5], (H,), dtype=jnp.float32, minval=-s1, maxval=s1)
    W2_l = jax.random.uniform(ks[6], (H, C), dtype=jnp.float32, minval=-s2, maxval=s2)
    W2_r = jax.random.uniform(ks[7], (H, C), dtype=jnp.float32, minval=-s2, maxval=s2)
    b2 = jax.random.uniform(ks[8], (C,), dtype=jnp.float32, minval=-s2, maxval=s2)
    return {"x": x, "edge_index1": edge_index1, "edge_index2": edge_index2,
            "W1_l": W1_l, "W1_r": W1_r, "b1": b1,
            "W2_l": W2_l, "W2_r": W2_r, "b2": b2}


def _sage_conv(x_src, x_dst, edge_index, W_l, W_r, b):
    # PyG SAGEConv with mean aggregation, root weight and bias:
    # out = lin_l(mean_{j in N(i)} x_j) + lin_r(x_i)
    src = edge_index[0]
    dst = edge_index[1]
    msgs = jnp.take(x_src, src, axis=0)                      # gather [E, d]
    num_dst = x_dst.shape[0]
    agg = jax.ops.segment_sum(msgs, dst, num_segments=num_dst)
    cnt = jax.ops.segment_sum(jnp.ones((src.shape[0], 1), dtype=x_src.dtype), dst,
                              num_segments=num_dst)
    mean = agg / jnp.maximum(cnt, 1.0)
    return mean @ W_l + b + x_dst @ W_r


def reference(x, edge_index1, edge_index2, W1_l, W1_r, b1, W2_l, W2_r, b2):
    # n_layer = 2 -> in_conv then out_conv; full-graph adjs so x_target = x[:N] = x
    # dropout p=0.0 (eval) -> identity; out_conv has norm='None'
    h = _sage_conv(x, x, edge_index1, W1_l, W1_r, b1)
    h = jax.nn.relu(h)
    out = _sage_conv(h, h, edge_index2, W2_l, W2_r, b2)
    return out

if __name__ == "__main__":
    import jax
    _d = setup_inputs()
    print(jax.jit(kernel)(*tuple(_d.values())))

</pallas_src>

<mosaic_0001>
#map = affine_map<(d0, d1) -> (0, 0, 0, 0)>
module attributes {stable_mosaic.version = 14 : i64} {
  func.func @k(%arg0: i32, %arg1: i32, %arg2: memref<2x32x80x128xi32, #tpu.memory_space<hbm>>, %arg3: memref<2x2x16x10240xf32, #tpu.memory_space<hbm>>, %arg4: memref<80x128xi32, #tpu.memory_space<vmem>>, %arg5: memref<10240xf32, #tpu.memory_space<vmem>>) attributes {dimension_semantics = [#tpu.dimension_semantics<core_parallel>, #tpu.dimension_semantics<subcore_parallel>], iteration_bounds = array<i64: 2, 16>, scalar_prefetch = 0 : i64, scratch_operands = 2 : i64, tpu.core_type = #tpu.core_type<sc_vector_subcore>, window_params = [{transform_indices = #map}, {transform_indices = #map}]} {
    %mul3A = arith.constant 2 : i32
    %mul3A_0 = arith.muli %arg1, %mul3A : i32
    %add3A = arith.addi %mul3A_0, %arg0 : i32
    %broadcast_in_dim3A = arith.constant 0.000000e+00 : f32
    %broadcast_in_dim3A_1 = vector.broadcast %broadcast_in_dim3A : f32 to vector<16xf32>
    %broadcast_in_dim3A_2 = arith.constant 1.000000e+00 : f32
    %broadcast_in_dim3A_3 = vector.broadcast %broadcast_in_dim3A_2 : f32 to vector<16xf32>
    %run_scoped3A = arith.constant 0 : i32
    "tpu.region"() ({
      %run_scoped3A_26 = tpu.sem_alloc : memref<!tpu.dma_semaphore, #tpu.memory_space<semaphore_mem>>
      %dma_start3A = arith.constant 0 : i32
      %dma_start3A_27 = arith.constant 0 : i32
      %dma_start3A_28 = tpu.memref_slice %arg2[%run_scoped3A, %add3A, %dma_start3A, %dma_start3A_27] : memref<2x32x80x128xi32, #tpu.memory_space<hbm>> -> memref<1x1x80x128xi32, #tpu.memory_space<hbm>>
      %dma_start3A_29 = tpu.memref_squeeze %dma_start3A_28 : memref<1x1x80x128xi32, #tpu.memory_space<hbm>> -> memref<80x128xi32, #tpu.memory_space<hbm>>
      %dma_start3A_30 = arith.constant 0 : i32
      %dma_start3A_31 = arith.constant 0 : i32
      %dma_start3A_32 = tpu.memref_slice %arg2[%run_scoped3A, %add3A, %dma_start3A_30, %dma_start3A_31] : memref<2x32x80x128xi32, #tpu.memory_space<hbm>> -> memref<1x1x80x128xi32, #tpu.memory_space<hbm>>
      %dma_start3A_33 = tpu.memref_squeeze %dma_start3A_32 : memref<1x1x80x128xi32, #tpu.memory_space<hbm>> -> memref<80x128xi32, #tpu.memory_space<hbm>>
      tpu.enqueue_dma source(%dma_start3A_33 : memref<80x128xi32, #tpu.memory_space<hbm>>) target(%arg4 : memref<80x128xi32, #tpu.memory_space<vmem>>) target_semaphore(%run_scoped3A_26 : memref<!tpu.dma_semaphore, #tpu.memory_space<semaphore_mem>>)
      %dma_wait3A = arith.constant 0 : i32
      %dma_wait3A_34 = arith.constant 0 : i32
      %dma_wait3A_35 = tpu.memref_slice %arg2[%run_scoped3A, %add3A, %dma_wait3A, %dma_wait3A_34] : memref<2x32x80x128xi32, #tpu.memory_space<hbm>> -> memref<1x1x80x128xi32, #tpu.memory_space<hbm>>
      %dma_wait3A_36 = tpu.memref_squeeze %dma_wait3A_35 : memref<1x1x80x128xi32, #tpu.memory_space<hbm>> -> memref<80x128xi32, #tpu.memory_space<hbm>>
      %dma_wait3A_37 = arith.constant 0 : i32
      %dma_wait3A_38 = arith.constant 0 : i32
      %dma_wait3A_39 = tpu.memref_slice %arg2[%run_scoped3A, %add3A, %dma_wait3A_37, %dma_wait3A_38] : memref<2x32x80x128xi32, #tpu.memory_space<hbm>> -> memref<1x1x80x128xi32, #tpu.memory_space<hbm>>
      %dma_wait3A_40 = tpu.memref_squeeze %dma_wait3A_39 : memref<1x1x80x128xi32, #tpu.memory_space<hbm>> -> memref<80x128xi32, #tpu.memory_space<hbm>>
      tpu.wait_dma2 semaphore(%run_scoped3A_26 : memref<!tpu.dma_semaphore, #tpu.memory_space<semaphore_mem>>) src(%dma_wait3A_40 : memref<80x128xi32, #tpu.memory_space<hbm>>) dst(%arg4 : memref<80x128xi32, #tpu.memory_space<vmem>>)
      tpu.yield
    }) : () -> ()
    %scan3A = arith.constant 0 : i32
    %scan3A_4 = arith.constant 640 : i32
    %scan3A_5 = arith.addi %scan3A, %scan3A_4 : i32
    %scan3A_6 = arith.constant 1 : i32
    scf.for %scan3A_26 = %scan3A to %scan3A_5 step %scan3A_6  : i32 {
      %mul3A_27 = arith.constant 1 : i32
      %mul3A_28 = arith.muli %scan3A_26, %mul3A_27 : i32
      %add3A_29 = arith.constant 0 : i32
      %add3A_30 = arith.addi %add3A_29, %mul3A_28 : i32
      %mul3A_31 = arith.constant 16 : i32
      %mul3A_32 = arith.muli %add3A_30, %mul3A_31 : i32
      %swap3A = arith.index_cast %mul3A_32 : i32 to index
      %swap3A_33 = tpu.vector_load %arg5[%swap3A] {strides = array<i32>} : memref<10240xf32, #tpu.memory_space<vmem>>, vector<16xf32>,
      tpu.vector_store %arg5[%swap3A], %broadcast_in_dim3A_1 {strides = array<i32>} : memref<10240xf32, #tpu.memory_space<vmem>>, vector<16xf32>,
    }
    %scan3A_7 = arith.constant 640 : i32
    %scan3A_8 = arith.constant 0 : i32
    %scan3A_9 = arith.constant 80 : i32
    %scan3A_10 = arith.addi %scan3A_8, %scan3A_9 : i32
    %scan3A_11 = arith.constant 1 : i32
    scf.for %scan3A_26 = %scan3A_8 to %scan3A_10 step %scan3A_11  : i32 {
      %mul3A_27 = arith.constant 1 : i32
      %mul3A_28 = arith.muli %scan3A_26, %mul3A_27 : i32
      %add3A_29 = arith.constant 0 : i32
      %add3A_30 = arith.addi %add3A_29, %mul3A_28 : i32
      %get3A = arith.index_cast %add3A_30 : i32 to index
      %get3A_31 = arith.constant 0 : index
      %get3A_32 = tpu.vector_load %arg4[%get3A, %get3A_31] {strides = array<i32>} : memref<80x128xi32, #tpu.memory_space<vmem>>, vector<16xi32>,
      tpu.vector_store_idx %arg5[%get3A_32], %broadcast_in_dim3A_3 {add = true} : memref<10240xf32, #tpu.memory_space<vmem>>[vector<16xi32>], vector<16xf32>,
      %get3A_33 = arith.index_cast %add3A_30 : i32 to index
      %get3A_34 = arith.constant 16 : index
      %get3A_35 = tpu.vector_load %arg4[%get3A_33, %get3A_34] {strides = array<i32>} : memref<80x128xi32, #tpu.memory_space<vmem>>, vector<16xi32>,
      tpu.vector_store_idx %arg5[%get3A_35], %broadcast_in_dim3A_3 {add = true} : memref<10240xf32, #tpu.memory_space<vmem>>[vector<16xi32>], vector<16xf32>,
      %get3A_36 = arith.index_cast %add3A_30 : i32 to index
      %get3A_37 = arith.constant 32 : index
      %get3A_38 = tpu.vector_load %arg4[%get3A_36, %get3A_37] {strides = array<i32>} : memref<80x128xi32, #tpu.memory_space<vmem>>, vector<16xi32>,
      tpu.vector_store_idx %arg5[%get3A_38], %broadcast_in_dim3A_3 {add = true} : memref<10240xf32, #tpu.memory_space<vmem>>[vector<16xi32>], vector<16xf32>,
      %get3A_39 = arith.index_cast %add3A_30 : i32 to index
      %get3A_40 = arith.constant 48 : index
      %get3A_41 = tpu.vector_load %arg4[%get3A_39, %get3A_40] {strides = array<i32>} : memref<80x128xi32, #tpu.memory_space<vmem>>, vector<16xi32>,
      tpu.vector_store_idx %arg5[%get3A_41], %broadcast_in_dim3A_3 {add = true} : memref<10240xf32, #tpu.memory_space<vmem>>[vector<16xi32>], vector<16xf32>,
      %get3A_42 = arith.index_cast %add3A_30 : i32 to index
      %get3A_43 = arith.constant 64 : index
      %get3A_44 = tpu.vector_load %arg4[%get3A_42, %get3A_43] {strides = array<i32>} : memref<80x128xi32, #tpu.memory_space<vmem>>, vector<16xi32>,
      tpu.vector_store_idx %arg5[%get3A_44], %broadcast_in_dim3A_3 {add = true} : memref<10240xf32, #tpu.memory_space<vmem>>[vector<16xi32>], vector<16xf32>,
      %get3A_45 = arith.index_cast %add3A_30 : i32 to index
      %get3A_46 = arith.constant 80 : index
      %get3A_47 = tpu.vector_load %arg4[%get3A_45, %get3A_46] {strides = array<i32>} : memref<80x128xi32, #tpu.memory_space<vmem>>, vector<16xi32>,
      tpu.vector_store_idx %arg5[%get3A_47], %broadcast_in_dim3A_3 {add = true} : memref<10240xf32, #tpu.memory_space<vmem>>[vector<16xi32>], vector<16xf32>,
      %get3A_48 = arith.index_cast %add3A_30 : i32 to index
      %get3A_49 = arith.constant 96 : index
      %get3A_50 = tpu.vector_load %arg4[%get3A_48, %get3A_49] {strides = array<i32>} : memref<80x128xi32, #tpu.memory_space<vmem>>, vector<16xi32>,
      tpu.vector_store_idx %arg5[%get3A_50], %broadcast_in_dim3A_3 {add = true} : memref<10240xf32, #tpu.memory_space<vmem>>[vector<16xi32>], vector<16xf32>,
      %get3A_51 = arith.index_cast %add3A_30 : i32 to index
      %get3A_52 = arith.constant 112 : index
      %get3A_53 = tpu.vector_load %arg4[%get3A_51, %get3A_52] {strides = array<i32>} : memref<80x128xi32, #tpu.memory_space<vmem>>, vector<16xi32>,
      tpu.vector_store_idx %arg5[%get3A_53], %broadcast_in_dim3A_3 {add = true} : memref<10240xf32, #tpu.memory_space<vmem>>[vector<16xi32>], vector<16xf32>,
    }
    %scan3A_12 = arith.constant 80 : i32
    %run_scoped3A_13 = arith.constant 0 : i32
    "tpu.region"() ({
      %run_scoped3A_26 = tpu.sem_alloc : memref<!tpu.dma_semaphore, #tpu.memory_space<semaphore_mem>>
      %dma_start3A = arith.constant 0 : i32
      %dma_start3A_27 = tpu.memref_slice %arg3[%run_scoped3A_13, %arg0, %arg1, %dma_start3A] : memref<2x2x16x10240xf32, #tpu.memory_space<hbm>> -> memref<1x1x1x10240xf32, #tpu.memory_space<hbm>>
      %dma_start3A_28 = tpu.memref_squeeze %dma_start3A_27 : memref<1x1x1x10240xf32, #tpu.memory_space<hbm>> -> memref<10240xf32, #tpu.memory_space<hbm>>
      %dma_start3A_29 = arith.constant 0 : i32
      %dma_start3A_30 = tpu.memref_slice %arg3[%run_scoped3A_13, %arg0, %arg1, %dma_start3A_29] : memref<2x2x16x10240xf32, #tpu.memory_space<hbm>> -> memref<1x1x1x10240xf32, #tpu.memory_space<hbm>>
      %dma_start3A_31 = tpu.memref_squeeze %dma_start3A_30 : memref<1x1x1x10240xf32, #tpu.memory_space<hbm>> -> memref<10240xf32, #tpu.memory_space<hbm>>
      tpu.enqueue_dma source(%arg5 : memref<10240xf32, #tpu.memory_space<vmem>>) target(%dma_start3A_31 : memref<10240xf32, #tpu.memory_space<hbm>>) target_semaphore(%run_scoped3A_26 : memref<!tpu.dma_semaphore, #tpu.memory_space<semaphore_mem>>)
      %dma_wait3A = arith.constant 0 : i32
      %dma_wait3A_32 = tpu.memref_slice %arg3[%run_scoped3A_13, %arg0, %arg1, %dma_wait3A] : memref<2x2x16x10240xf32, #tpu.memory_space<hbm>> -> memref<1x1x1x10240xf32, #tpu.memory_space<hbm>>
      %dma_wait3A_33 = tpu.memref_squeeze %dma_wait3A_32 : memref<1x1x1x10240xf32, #tpu.memory_space<hbm>> -> memref<10240xf32, #tpu.memory_space<hbm>>
      %dma_wait3A_34 = arith.constant 0 : i32
      %dma_wait3A_35 = tpu.memref_slice %arg3[%run_scoped3A_13, %arg0, %arg1, %dma_wait3A_34] : memref<2x2x16x10240xf32, #tpu.memory_space<hbm>> -> memref<1x1x1x10240xf32, #tpu.memory_space<hbm>>
      %dma_wait3A_36 = tpu.memref_squeeze %dma_wait3A_35 : memref<1x1x1x10240xf32, #tpu.memory_space<hbm>> -> memref<10240xf32, #tpu.memory_space<hbm>>
      tpu.wait_dma2 semaphore(%run_scoped3A_26 : memref<!tpu.dma_semaphore, #tpu.memory_space<semaphore_mem>>) src(%arg5 : memref<10240xf32, #tpu.memory_space<vmem>>) dst(%dma_wait3A_36 : memref<10240xf32, #tpu.memory_space<hbm>>)
      tpu.yield
    }) : () -> ()
    %run_scoped3A_14 = arith.constant 1 : i32
    "tpu.region"() ({
      %run_scoped3A_26 = tpu.sem_alloc : memref<!tpu.dma_semaphore, #tpu.memory_space<semaphore_mem>>
      %dma_start3A = arith.constant 0 : i32
      %dma_start3A_27 = arith.constant 0 : i32
      %dma_start3A_28 = tpu.memref_slice %arg2[%run_scoped3A_14, %add3A, %dma_start3A, %dma_start3A_27] : memref<2x32x80x128xi32, #tpu.memory_space<hbm>> -> memref<1x1x80x128xi32, #tpu.memory_space<hbm>>
      %dma_start3A_29 = tpu.memref_squeeze %dma_start3A_28 : memref<1x1x80x128xi32, #tpu.memory_space<hbm>> -> memref<80x128xi32, #tpu.memory_space<hbm>>
      %dma_start3A_30 = arith.constant 0 : i32
      %dma_start3A_31 = arith.constant 0 : i32
      %dma_start3A_32 = tpu.memref_slice %arg2[%run_scoped3A_14, %add3A, %dma_start3A_30, %dma_start3A_31] : memref<2x32x80x128xi32, #tpu.memory_space<hbm>> -> memref<1x1x80x128xi32, #tpu.memory_space<hbm>>
      %dma_start3A_33 = tpu.memref_squeeze %dma_start3A_32 : memref<1x1x80x128xi32, #tpu.memory_space<hbm>> -> memref<80x128xi32, #tpu.memory_space<hbm>>
      tpu.enqueue_dma source(%dma_start3A_33 : memref<80x128xi32, #tpu.memory_space<hbm>>) target(%arg4 : memref<80x128xi32, #tpu.memory_space<vmem>>) target_semaphore(%run_scoped3A_26 : memref<!tpu.dma_semaphore, #tpu.memory_space<semaphore_mem>>)
      %dma_wait3A = arith.constant 0 : i32
      %dma_wait3A_34 = arith.constant 0 : i32
      %dma_wait3A_35 = tpu.memref_slice %arg2[%run_scoped3A_14, %add3A, %dma_wait3A, %dma_wait3A_34] : memref<2x32x80x128xi32, #tpu.memory_space<hbm>> -> memref<1x1x80x128xi32, #tpu.memory_space<hbm>>
      %dma_wait3A_36 = tpu.memref_squeeze %dma_wait3A_35 : memref<1x1x80x128xi32, #tpu.memory_space<hbm>> -> memref<80x128xi32, #tpu.memory_space<hbm>>
      %dma_wait3A_37 = arith.constant 0 : i32
      %dma_wait3A_38 = arith.constant 0 : i32
      %dma_wait3A_39 = tpu.memref_slice %arg2[%run_scoped3A_14, %add3A, %dma_wait3A_37, %dma_wait3A_38] : memref<2x32x80x128xi32, #tpu.memory_space<hbm>> -> memref<1x1x80x128xi32, #tpu.memory_space<hbm>>
      %dma_wait3A_40 = tpu.memref_squeeze %dma_wait3A_39 : memref<1x1x80x128xi32, #tpu.memory_space<hbm>> -> memref<80x128xi32, #tpu.memory_space<hbm>>
      tpu.wait_dma2 semaphore(%run_scoped3A_26 : memref<!tpu.dma_semaphore, #tpu.memory_space<semaphore_mem>>) src(%dma_wait3A_40 : memref<80x128xi32, #tpu.memory_space<hbm>>) dst(%arg4 : memref<80x128xi32, #tpu.memory_space<vmem>>)
      tpu.yield
    }) : () -> ()
    %scan3A_15 = arith.constant 0 : i32
    %scan3A_16 = arith.constant 640 : i32
    %scan3A_17 = arith.addi %scan3A_15, %scan3A_16 : i32
    %scan3A_18 = arith.constant 1 : i32
    scf.for %scan3A_26 = %scan3A_15 to %scan3A_17 step %scan3A_18  : i32 {
      %mul3A_27 = arith.constant 1 : i32
      %mul3A_28 = arith.muli %scan3A_26, %mul3A_27 : i32
      %add3A_29 = arith.constant 0 : i32
      %add3A_30 = arith.addi %add3A_29, %mul3A_28 : i32
      %mul3A_31 = arith.constant 16 : i32
      %mul3A_32 = arith.muli %add3A_30, %mul3A_31 : i32
      %swap3A = arith.index_cast %mul3A_32 : i32 to index
      %swap3A_33 = tpu.vector_load %arg5[%swap3A] {strides = array<i32>} : memref<10240xf32, #tpu.memory_space<vmem>>, vector<16xf32>,
      tpu.vector_store %arg5[%swap3A], %broadcast_in_dim3A_1 {strides = array<i32>} : memref<10240xf32, #tpu.memory_space<vmem>>, vector<16xf32>,
    }
    %scan3A_19 = arith.constant 640 : i32
    %scan3A_20 = arith.constant 0 : i32
    %scan3A_21 = arith.constant 80 : i32
    %scan3A_22 = arith.addi %scan3A_20, %scan3A_21 : i32
    %scan3A_23 = arith.constant 1 : i32
    scf.for %scan3A_26 = %scan3A_20 to %scan3A_22 step %scan3A_23  : i32 {
      %mul3A_27 = arith.constant 1 : i32
      %mul3A_28 = arith.muli %scan3A_26, %mul3A_27 : i32
      %add3A_29 = arith.constant 0 : i32
      %add3A_30 = arith.addi %add3A_29, %mul3A_28 : i32
      %get3A = arith.index_cast %add3A_30 : i32 to index
      %get3A_31 = arith.constant 0 : index
      %get3A_32 = tpu.vector_load %arg4[%get3A, %get3A_31] {strides = array<i32>} : memref<80x128xi32, #tpu.memory_space<vmem>>, vector<16xi32>,
      tpu.vector_store_idx %arg5[%get3A_32], %broadcast_in_dim3A_3 {add = true} : memref<10240xf32, #tpu.memory_space<vmem>>[vector<16xi32>], vector<16xf32>,
      %get3A_33 = arith.index_cast %add3A_30 : i32 to index
      %get3A_34 = arith.constant 16 : index
      %get3A_35 = tpu.vector_load %arg4[%get3A_33, %get3A_34] {strides = array<i32>} : memref<80x128xi32, #tpu.memory_space<vmem>>, vector<16xi32>,
      tpu.vector_store_idx %arg5[%get3A_35], %broadcast_in_dim3A_3 {add = true} : memref<10240xf32, #tpu.memory_space<vmem>>[vector<16xi32>], vector<16xf32>,
      %get3A_36 = arith.index_cast %add3A_30 : i32 to index
      %get3A_37 = arith.constant 32 : index
      %get3A_38 = tpu.vector_load %arg4[%get3A_36, %get3A_37] {strides = array<i32>} : memref<80x128xi32, #tpu.memory_space<vmem>>, vector<16xi32>,
      tpu.vector_store_idx %arg5[%get3A_38], %broadcast_in_dim3A_3 {add = true} : memref<10240xf32, #tpu.memory_space<vmem>>[vector<16xi32>], vector<16xf32>,
      %get3A_39 = arith.index_cast %add3A_30 : i32 to index
      %get3A_40 = arith.constant 48 : index
      %get3A_41 = tpu.vector_load %arg4[%get3A_39, %get3A_40] {strides = array<i32>} : memref<80x128xi32, #tpu.memory_space<vmem>>, vector<16xi32>,
      tpu.vector_store_idx %arg5[%get3A_41], %broadcast_in_dim3A_3 {add = true} : memref<10240xf32, #tpu.memory_space<vmem>>[vector<16xi32>], vector<16xf32>,
      %get3A_42 = arith.index_cast %add3A_30 : i32 to index
      %get3A_43 = arith.constant 64 : index
      %get3A_44 = tpu.vector_load %arg4[%get3A_42, %get3A_43] {strides = array<i32>} : memref<80x128xi32, #tpu.memory_space<vmem>>, vector<16xi32>,
      tpu.vector_store_idx %arg5[%get3A_44], %broadcast_in_dim3A_3 {add = true} : memref<10240xf32, #tpu.memory_space<vmem>>[vector<16xi32>], vector<16xf32>,
      %get3A_45 = arith.index_cast %add3A_30 : i32 to index
      %get3A_46 = arith.constant 80 : index
      %get3A_47 = tpu.vector_load %arg4[%get3A_45, %get3A_46] {strides = array<i32>} : memref<80x128xi32, #tpu.memory_space<vmem>>, vector<16xi32>,
      tpu.vector_store_idx %arg5[%get3A_47], %broadcast_in_dim3A_3 {add = true} : memref<10240xf32, #tpu.memory_space<vmem>>[vector<16xi32>], vector<16xf32>,
      %get3A_48 = arith.index_cast %add3A_30 : i32 to index
      %get3A_49 = arith.constant 96 : index
      %get3A_50 = tpu.vector_load %arg4[%get3A_48, %get3A_49] {strides = array<i32>} : memref<80x128xi32, #tpu.memory_space<vmem>>, vector<16xi32>,
      tpu.vector_store_idx %arg5[%get3A_50], %broadcast_in_dim3A_3 {add = true} : memref<10240xf32, #tpu.memory_space<vmem>>[vector<16xi32>], vector<16xf32>,
      %get3A_51 = arith.index_cast %add3A_30 : i32 to index
      %get3A_52 = arith.constant 112 : index
      %get3A_53 = tpu.vector_load %arg4[%get3A_51, %get3A_52] {strides = array<i32>} : memref<80x128xi32, #tpu.memory_space<vmem>>, vector<16xi32>,
      tpu.vector_store_idx %arg5[%get3A_53], %broadcast_in_dim3A_3 {add = true} : memref<10240xf32, #tpu.memory_space<vmem>>[vector<16xi32>], vector<16xf32>,
    }
    %scan3A_24 = arith.constant 80 : i32
    %run_scoped3A_25 = arith.constant 1 : i32
    "tpu.region"() ({
      %run_scoped3A_26 = tpu.sem_alloc : memref<!tpu.dma_semaphore, #tpu.memory_space<semaphore_mem>>
      %dma_start3A = arith.constant 0 : i32
      %dma_start3A_27 = tpu.memref_slice %arg3[%run_scoped3A_25, %arg0, %arg1, %dma_start3A] : memref<2x2x16x10240xf32, #tpu.memory_space<hbm>> -> memref<1x1x1x10240xf32, #tpu.memory_space<hbm>>
      %dma_start3A_28 = tpu.memref_squeeze %dma_start3A_27 : memref<1x1x1x10240xf32, #tpu.memory_space<hbm>> -> memref<10240xf32, #tpu.memory_space<hbm>>
      %dma_start3A_29 = arith.constant 0 : i32
      %dma_start3A_30 = tpu.memref_slice %arg3[%run_scoped3A_25, %arg0, %arg1, %dma_start3A_29] : memref<2x2x16x10240xf32, #tpu.memory_space<hbm>> -> memref<1x1x1x10240xf32, #tpu.memory_space<hbm>>
      %dma_start3A_31 = tpu.memref_squeeze %dma_start3A_30 : memref<1x1x1x10240xf32, #tpu.memory_space<hbm>> -> memref<10240xf32, #tpu.memory_space<hbm>>
      tpu.enqueue_dma source(%arg5 : memref<10240xf32, #tpu.memory_space<vmem>>) target(%dma_start3A_31 : memref<10240xf32, #tpu.memory_space<hbm>>) target_semaphore(%run_scoped3A_26 : memref<!tpu.dma_semaphore, #tpu.memory_space<semaphore_mem>>)
      %dma_wait3A = arith.constant 0 : i32
      %dma_wait3A_32 = tpu.memref_slice %arg3[%run_scoped3A_25, %arg0, %arg1, %dma_wait3A] : memref<2x2x16x10240xf32, #tpu.memory_space<hbm>> -> memref<1x1x1x10240xf32, #tpu.memory_space<hbm>>
      %dma_wait3A_33 = tpu.memref_squeeze %dma_wait3A_32 : memref<1x1x1x10240xf32, #tpu.memory_space<hbm>> -> memref<10240xf32, #tpu.memory_space<hbm>>
      %dma_wait3A_34 = arith.constant 0 : i32
      %dma_wait3A_35 = tpu.memref_slice %arg3[%run_scoped3A_25, %arg0, %arg1, %dma_wait3A_34] : memref<2x2x16x10240xf32, #tpu.memory_space<hbm>> -> memref<1x1x1x10240xf32, #tpu.memory_space<hbm>>
      %dma_wait3A_36 = tpu.memref_squeeze %dma_wait3A_35 : memref<1x1x1x10240xf32, #tpu.memory_space<hbm>> -> memref<10240xf32, #tpu.memory_space<hbm>>
      tpu.wait_dma2 semaphore(%run_scoped3A_26 : memref<!tpu.dma_semaphore, #tpu.memory_space<semaphore_mem>>) src(%arg5 : memref<10240xf32, #tpu.memory_space<vmem>>) dst(%dma_wait3A_36 : memref<10240xf32, #tpu.memory_space<hbm>>)
      tpu.yield
    }) : () -> ()
    return
  }
}

#map = affine_map<(d0, d1) -> (0, 0)>
#map1 = affine_map<(d0, d1) -> (0, 0, 0)>
#map2 = affine_map<(d0, d1) -> (0, 0, 0, 0)>
module attributes {stable_mosaic.version = 14 : i64} {
  func.func @k(%arg0: i32, %arg1: i32, %arg2: memref<10240x64xf32, #tpu.memory_space<hbm>>, %arg3: memref<32x80x128xi32, #tpu.memory_space<hbm>>, %arg4: memref<32x80x1x128xi32, #tpu.memory_space<hbm>>, %arg5: memref<640x64xf32, #tpu.memory_space<hbm>>, %arg6: memref<2x10240x64xf32, #tpu.memory_space<hbm>>, %arg7: memref<80x128xi32, #tpu.memory_space<vmem>>, %arg8: memref<1x128xi32, #tpu.memory_space<vmem>>, %arg9: memref<1x128xi32, #tpu.memory_space<vmem>>, %arg10: memref<128x64xf32, #tpu.memory_space<vmem>>, %arg11: memref<128x64xf32, #tpu.memory_space<vmem>>, %arg12: memref<10240x64xf32, #tpu.memory_space<vmem_shared>>, %arg13: memref<!tpu.dma_semaphore, #tpu.memory_space<semaphore_mem>>, %arg14: memref<!tpu.dma_semaphore, #tpu.memory_space<semaphore_mem>>, %arg15: memref<!tpu.dma_semaphore, #tpu.memory_space<semaphore_mem>>, %arg16: memref<!tpu.dma_semaphore, #tpu.memory_space<semaphore_mem>>) attributes {dimension_semantics = [#tpu.dimension_semantics<core_parallel>, #tpu.dimension_semantics<subcore_parallel>], iteration_bounds = array<i64: 2, 16>, scalar_prefetch = 0 : i64, scratch_operands = 10 : i64, tpu.core_type = #tpu.core_type<sc_vector_subcore>, window_params = [{transform_indices = #map}, {transform_indices = #map1}, {transform_indices = #map2}, {transform_indices = #map}, {transform_indices = #map1}]} {
    %mul3A = arith.constant 2 : i32
    %mul3A_0 = arith.muli %arg1, %mul3A : i32
    %add3A = arith.addi %mul3A_0, %arg0 : i32
    "tpu.region"() ({
      %run_scoped3A = tpu.sem_alloc : memref<!tpu.dma_semaphore, #tpu.memory_space<semaphore_mem>>
      %dma_start3A_39 = arith.constant 0 : i32
      %dma_start3A_40 = arith.constant 0 : i32
      %dma_start3A_41 = tpu.memref_slice %arg3[%add3A, %dma_start3A_39, %dma_start3A_40] : memref<32x80x128xi32, #tpu.memory_space<hbm>> -> memref<1x80x128xi32, #tpu.memory_space<hbm>>
      %dma_start3A_42 = tpu.memref_squeeze %dma_start3A_41 : memref<1x80x128xi32, #tpu.memory_space<hbm>> -> memref<80x128xi32, #tpu.memory_space<hbm>>
      %dma_start3A_43 = arith.constant 0 : i32
      %dma_start3A_44 = arith.constant 0 : i32
      %dma_start3A_45 = tpu.memref_slice %arg3[%add3A, %dma_start3A_43, %dma_start3A_44] : memref<32x80x128xi32, #tpu.memory_space<hbm>> -> memref<1x80x128xi32, #tpu.memory_space<hbm>>
      %dma_start3A_46 = tpu.memref_squeeze %dma_start3A_45 : memref<1x80x128xi32, #tpu.memory_space<hbm>> -> memref<80x128xi32, #tpu.memory_space<hbm>>
      tpu.enqueue_dma source(%dma_start3A_46 : memref<80x128xi32, #tpu.memory_space<hbm>>) target(%arg7 : memref<80x128xi32, #tpu.memory_space<vmem>>) target_semaphore(%run_scoped3A : memref<!tpu.dma_semaphore, #tpu.memory_space<semaphore_mem>>)
      %dma_wait3A = arith.constant 0 : i32
      %dma_wait3A_47 = arith.constant 0 : i32
      %dma_wait3A_48 = tpu.memref_slice %arg3[%add3A, %dma_wait3A, %dma_wait3A_47] : memref<32x80x128xi32, #tpu.memory_space<hbm>> -> memref<1x80x128xi32, #tpu.memory_space<hbm>>
      %dma_wait3A_49 = tpu.memref_squeeze %dma_wait3A_48 : memref<1x80x128xi32, #tpu.memory_space<hbm>> -> memref<80x128xi32, #tpu.memory_space<hbm>>
      %dma_wait3A_50 = arith.constant 0 : i32
      %dma_wait3A_51 = arith.constant 0 : i32
      %dma_wait3A_52 = tpu.memref_slice %arg3[%add3A, %dma_wait3A_50, %dma_wait3A_51] : memref<32x80x128xi32, #tpu.memory_space<hbm>> -> memref<1x80x128xi32, #tpu.memory_space<hbm>>
      %dma_wait3A_53 = tpu.memref_squeeze %dma_wait3A_52 : memref<1x80x128xi32, #tpu.memory_space<hbm>> -> memref<80x128xi32, #tpu.memory_space<hbm>>
      tpu.wait_dma2 semaphore(%run_scoped3A : memref<!tpu.dma_semaphore, #tpu.memory_space<semaphore_mem>>) src(%dma_wait3A_53 : memref<80x128xi32, #tpu.memory_space<hbm>>) dst(%arg7 : memref<80x128xi32, #tpu.memory_space<vmem>>)
      tpu.yield
    }) : () -> ()
    %mul3A_1 = arith.constant 640 : i32
    %mul3A_2 = arith.muli %arg1, %mul3A_1 : i32
    "tpu.region"() ({
      %run_scoped3A = tpu.sem_alloc : memref<!tpu.dma_semaphore, #tpu.memory_space<semaphore_mem>>
      %dma_start3A_39 = arith.constant 0 : i32
      %dma_start3A_40 = tpu.memref_slice %arg12[%mul3A_2, %dma_start3A_39] : memref<10240x64xf32, #tpu.memory_space<vmem_shared>> -> memref<640x64xf32, #tpu.memory_space<vmem_shared>>
      tpu.enqueue_dma source(%arg5 : memref<640x64xf32, #tpu.memory_space<hbm>>) target(%dma_start3A_40 : memref<640x64xf32, #tpu.memory_space<vmem_shared>>) target_semaphore(%run_scoped3A : memref<!tpu.dma_semaphore, #tpu.memory_space<semaphore_mem>>)
      %dma_wait3A = arith.constant 0 : i32
      %dma_wait3A_41 = tpu.memref_slice %arg12[%mul3A_2, %dma_wait3A] : memref<10240x64xf32, #tpu.memory_space<vmem_shared>> -> memref<640x64xf32, #tpu.memory_space<vmem_shared>>
      tpu.wait_dma2 semaphore(%run_scoped3A : memref<!tpu.dma_semaphore, #tpu.memory_space<semaphore_mem>>) src(%arg5 : memref<640x64xf32, #tpu.memory_space<hbm>>) dst(%dma_wait3A_41 : memref<640x64xf32, #tpu.memory_space<vmem_shared>>)
      tpu.yield
    }) : () -> ()
    %barrier3A = arith.constant 0 : index
    tpu.barrier barrier_id(%barrier3A)
    %dma_start3A = arith.constant 0 : i32
    %dma_start3A_3 = arith.constant 0 : i32
    %dma_start3A_4 = arith.constant 0 : i32
    %dma_start3A_5 = tpu.memref_slice %arg4[%add3A, %dma_start3A, %dma_start3A_3, %dma_start3A_4] : memref<32x80x1x128xi32, #tpu.memory_space<hbm>> -> memref<1x1x1x128xi32, #tpu.memory_space<hbm>>
    %dma_start3A_6 = tpu.memref_squeeze %dma_start3A_5 : memref<1x1x1x128xi32, #tpu.memory_space<hbm>> -> memref<1x128xi32, #tpu.memory_space<hbm>>
    %dma_start3A_7 = arith.constant 0 : i32
    %dma_start3A_8 = arith.constant 0 : i32
    %dma_start3A_9 = tpu.memref_slice %arg4[%add3A, %dma_start3A, %dma_start3A_7, %dma_start3A_8] : memref<32x80x1x128xi32, #tpu.memory_space<hbm>> -> memref<1x1x1x128xi32, #tpu.memory_space<hbm>>
    %dma_start3A_10 = tpu.memref_squeeze %dma_start3A_9 : memref<1x1x1x128xi32, #tpu.memory_space<hbm>> -> memref<1x128xi32, #tpu.memory_space<hbm>>
    tpu.enqueue_dma source(%dma_start3A_10 : memref<1x128xi32, #tpu.memory_space<hbm>>) target(%arg8 : memref<1x128xi32, #tpu.memory_space<vmem>>) target_semaphore(%arg15 : memref<!tpu.dma_semaphore, #tpu.memory_space<semaphore_mem>>)
    %dma_start3A_11 = arith.constant 1 : i32
    %dma_start3A_12 = arith.constant 0 : i32
    %dma_start3A_13 = arith.constant 0 : i32
    %dma_start3A_14 = tpu.memref_slice %arg4[%add3A, %dma_start3A_11, %dma_start3A_12, %dma_start3A_13] : memref<32x80x1x128xi32, #tpu.memory_space<hbm>> -> memref<1x1x1x128xi32, #tpu.memory_space<hbm>>
    %dma_start3A_15 = tpu.memref_squeeze %dma_start3A_14 : memref<1x1x1x128xi32, #tpu.memory_space<hbm>> -> memref<1x128xi32, #tpu.memory_space<hbm>>
    %dma_start3A_16 = arith.constant 0 : i32
    %dma_start3A_17 = arith.constant 0 : i32
    %dma_start3A_18 = tpu.memref_slice %arg4[%add3A, %dma_start3A_11, %dma_start3A_16, %dma_start3A_17] : memref<32x80x1x128xi32, #tpu.memory_space<hbm>> -> memref<1x1x1x128xi32, #tpu.memory_space<hbm>>
    %dma_start3A_19 = tpu.memref_squeeze %dma_start3A_18 : memref<1x1x1x128xi32, #tpu.memory_space<hbm>> -> memref<1x128xi32, #tpu.memory_space<hbm>>
    tpu.enqueue_dma source(%dma_start3A_19 : memref<1x128xi32, #tpu.memory_space<hbm>>) target(%arg9 : memref<1x128xi32, #tpu.memory_space<vmem>>) target_semaphore(%arg16 : memref<!tpu.dma_semaphore, #tpu.memory_space<semaphore_mem>>)
    %dma_start3A_20 = arith.constant 0 : i32
    %dma_start3A_21 = arith.constant 0 : i32
    %dma_start3A_22 = tpu.memref_slice %arg7[%dma_start3A_20, %dma_start3A_21] : memref<80x128xi32, #tpu.memory_space<vmem>> -> memref<1x128xi32, #tpu.memory_space<vmem>>
    %dma_start3A_23 = tpu.memref_squeeze %dma_start3A_22 : memref<1x128xi32, #tpu.memory_space<vmem>> -> memref<128xi32, #tpu.memory_space<vmem>>
    %dma_start3A_24 = arith.constant 0 : i32
    %dma_start3A_25 = arith.constant 0 : i32
    %dma_start3A_26 = tpu.memref_slice %arg2[%dma_start3A_24, %dma_start3A_25] : memref<10240x64xf32, #tpu.memory_space<hbm>> -> memref<10240x64xf32, #tpu.memory_space<hbm>>
    tpu.enqueue_indirect_dma source(%dma_start3A_26 : memref<10240x64xf32, #tpu.memory_space<hbm>>) target(%arg10 : memref<128x64xf32, #tpu.memory_space<vmem>>) offsets(%dma_start3A_23 : memref<128xi32, #tpu.memory_space<vmem>>) semaphore(%arg13 : memref<!tpu.dma_semaphore, #tpu.memory_space<semaphore_mem>>)
    %dma_start3A_27 = arith.constant 1 : i32
    %dma_start3A_28 = arith.constant 0 : i32
    %dma_start3A_29 = tpu.memref_slice %arg7[%dma_start3A_27, %dma_start3A_28] : memref<80x128xi32, #tpu.memory_space<vmem>> -> memref<1x128xi32, #tpu.memory_space<vmem>>
    %dma_start3A_30 = tpu.memref_squeeze %dma_start3A_29 : memref<1x128xi32, #tpu.memory_space<vmem>> -> memref<128xi32, #tpu.memory_space<vmem>>
    %dma_start3A_31 = arith.constant 0 : i32
    %dma_start3A_32 = arith.constant 0 : i32
    %dma_start3A_33 = tpu.memref_slice %arg2[%dma_start3A_31, %dma_start3A_32] : memref<10240x64xf32, #tpu.memory_space<hbm>> -> memref<10240x64xf32, #tpu.memory_space<hbm>>
    tpu.enqueue_indirect_dma source(%dma_start3A_33 : memref<10240x64xf32, #tpu.memory_space<hbm>>) target(%arg11 : memref<128x64xf32, #tpu.memory_space<vmem>>) offsets(%dma_start3A_30 : memref<128xi32, #tpu.memory_space<vmem>>) semaphore(%arg14 : memref<!tpu.dma_semaphore, #tpu.memory_space<semaphore_mem>>)
    %scan3A = arith.constant 0 : i32
    %scan3A_34 = arith.constant 40 : i32
    %scan3A_35 = arith.addi %scan3A, %scan3A_34 : i32
    %scan3A_36 = arith.constant 1 : i32
    scf.for %scan3A_39 = %scan3A to %scan3A_35 step %scan3A_36  : i32 {
      %mul3A_40 = arith.constant 2 : i32
      %mul3A_41 = arith.muli %scan3A_39, %mul3A_40 : i32
      %add3A_42 = arith.constant 0 : i32
      %add3A_43 = arith.addi %add3A_42, %mul3A_41 : i32
      %dma_wait3A = arith.constant 0 : i32
      %dma_wait3A_44 = tpu.memref_slice %arg7[%add3A_43, %dma_wait3A] : memref<80x128xi32, #tpu.memory_space<vmem>> -> memref<1x128xi32, #tpu.memory_space<vmem>>
      %dma_wait3A_45 = tpu.memref_squeeze %dma_wait3A_44 : memref<1x128xi32, #tpu.memory_space<vmem>> -> memref<128xi32, #tpu.memory_space<vmem>>
      %dma_wait3A_46 = arith.constant 0 : i32
      %dma_wait3A_47 = arith.constant 0 : i32
      %dma_wait3A_48 = tpu.memref_slice %arg2[%dma_wait3A_46, %dma_wait3A_47] : memref<10240x64xf32, #tpu.memory_space<hbm>> -> memref<10240x64xf32, #tpu.memory_space<hbm>>
      tpu.wait_indirect_dma semaphore(%arg13 : memref<!tpu.dma_semaphore, #tpu.memory_space<semaphore_mem>>) src(%dma_wait3A_48 : memref<10240x64xf32, #tpu.memory_space<hbm>>) dst(%arg10 : memref<128x64xf32, #tpu.memory_space<vmem>>)
      %dma_wait3A_49 = arith.constant 0 : i32
      %dma_wait3A_50 = arith.constant 0 : i32
      %dma_wait3A_51 = tpu.memref_slice %arg4[%add3A, %add3A_43, %dma_wait3A_49, %dma_wait3A_50] : memref<32x80x1x128xi32, #tpu.memory_space<hbm>> -> memref<1x1x1x128xi32, #tpu.memory_space<hbm>>
      %dma_wait3A_52 = tpu.memref_squeeze %dma_wait3A_51 : memref<1x1x1x128xi32, #tpu.memory_space<hbm>> -> memref<1x128xi32, #tpu.memory_space<hbm>>
      %dma_wait3A_53 = arith.constant 0 : i32
      %dma_wait3A_54 = arith.constant 0 : i32
      %dma_wait3A_55 = tpu.memref_slice %arg4[%add3A, %add3A_43, %dma_wait3A_53, %dma_wait3A_54] : memref<32x80x1x128xi32, #tpu.memory_space<hbm>> -> memref<1x1x1x128xi32, #tpu.memory_space<hbm>>
      %dma_wait3A_56 = tpu.memref_squeeze %dma_wait3A_55 : memref<1x1x1x128xi32, #tpu.memory_space<hbm>> -> memref<1x128xi32, #tpu.memory_space<hbm>>
      tpu.wait_dma2 semaphore(%arg15 : memref<!tpu.dma_semaphore, #tpu.memory_space<semaphore_mem>>) src(%dma_wait3A_56 : memref<1x128xi32, #tpu.memory_space<hbm>>) dst(%arg8 : memref<1x128xi32, #tpu.memory_space<vmem>>)
      %run_scoped3A = arith.constant 0 : i32
      "tpu.region"() ({
        %run_scoped3A_87 = tpu.sem_alloc : memref<!tpu.dma_semaphore, #tpu.memory_space<semaphore_mem>>
        %dma_start3A_88 = arith.constant 0 : i32
        %dma_start3A_89 = tpu.memref_slice %arg8[%run_scoped3A, %dma_start3A_88] : memref<1x128xi32, #tpu.memory_space<vmem>> -> memref<1x128xi32, #tpu.memory_space<vmem>>
        %dma_start3A_90 = tpu.memref_squeeze %dma_start3A_89 : memref<1x128xi32, #tpu.memory_space<vmem>> -> memref<128xi32, #tpu.memory_space<vmem>>
        %dma_start3A_91 = arith.constant 0 : i32
        %dma_start3A_92 = arith.constant 0 : i32
        %dma_start3A_93 = tpu.memref_slice %arg12[%dma_start3A_91, %dma_start3A_92] : memref<10240x64xf32, #tpu.memory_space<vmem_shared>> -> memref<10240x64xf32, #tpu.memory_space<vmem_shared>>
        tpu.enqueue_indirect_dma source(%arg10 : memref<128x64xf32, #tpu.memory_space<vmem>>) target(%dma_start3A_93 : memref<10240x64xf32, #tpu.memory_space<vmem_shared>>) offsets(%dma_start3A_90 : memref<128xi32, #tpu.memory_space<vmem>>) semaphore(%run_scoped3A_87 : memref<!tpu.dma_semaphore, #tpu.memory_space<semaphore_mem>>) {add = true}
        %dma_wait3A_94 = arith.constant 0 : i32
        %dma_wait3A_95 = tpu.memref_slice %arg8[%run_scoped3A, %dma_wait3A_94] : memref<1x128xi32, #tpu.memory_space<vmem>> -> memref<1x128xi32, #tpu.memory_space<vmem>>
        %dma_wait3A_96 = tpu.memref_squeeze %dma_wait3A_95 : memref<1x128xi32, #tpu.memory_space<vmem>> -> memref<128xi32, #tpu.memory_space<vmem>>
        %dma_wait3A_97 = arith.constant 0 : i32
        %dma_wait3A_98 = arith.constant 0 : i32
        %dma_wait3A_99 = tpu.memref_slice %arg12[%dma_wait3A_97, %dma_wait3A_98] : memref<10240x64xf32, #tpu.memory_space<vmem_shared>> -> memref<10240x64xf32, #tpu.memory_space<vmem_shared>>
        tpu.wait_indirect_dma semaphore(%run_scoped3A_87 : memref<!tpu.dma_semaphore, #tpu.memory_space<semaphore_mem>>) src(%arg10 : memref<128x64xf32, #tpu.memory_space<vmem>>) dst(%dma_wait3A_99 : memref<10240x64xf32, #tpu.memory_space<vmem_shared>>)
        tpu.yield
      }) : () -> ()
      %add3A_57 = arith.constant 2 : i32
      %add3A_58 = arith.addi %add3A_43, %add3A_57 : i32
      %lt3A = arith.constant 80 : i32
      %lt3A_59 = arith.cmpi slt, %add3A_58, %lt3A : i32
      %convert_element_type3A = arith.extui %lt3A_59 : i1 to i32
      %cond3A = arith.constant 0 : i32
      %cond3A_60 = arith.cmpi ne, %convert_element_type3A, %cond3A : i32
      scf.if %cond3A_60 {
        %add3A_87 = arith.constant 2 : i32
        %add3A_88 = arith.addi %add3A_43, %add3A_87 : i32
        %dma_start3A_89 = arith.constant 0 : i32
        %dma_start3A_90 = tpu.memref_slice %arg7[%add3A_88, %dma_start3A_89] : memref<80x128xi32, #tpu.memory_space<vmem>> -> memref<1x128xi32, #tpu.memory_space<vmem>>
        %dma_start3A_91 = tpu.memref_squeeze %dma_start3A_90 : memref<1x128xi32, #tpu.memory_space<vmem>> -> memref<128xi32, #tpu.memory_space<vmem>>
        %dma_start3A_92 = arith.constant 0 : i32
        %dma_start3A_93 = arith.constant 0 : i32
        %dma_start3A_94 = tpu.memref_slice %arg2[%dma_start3A_92, %dma_start3A_93] : memref<10240x64xf32, #tpu.memory_space<hbm>> -> memref<10240x64xf32, #tpu.memory_space<hbm>>
        tpu.enqueue_indirect_dma source(%dma_start3A_94 : memref<10240x64xf32, #tpu.memory_space<hbm>>) target(%arg10 : memref<128x64xf32, #tpu.memory_space<vmem>>) offsets(%dma_start3A_91 : memref<128xi32, #tpu.memory_space<vmem>>) semaphore(%arg13 : memref<!tpu.dma_semaphore, #tpu.memory_space<semaphore_mem>>)
        %add3A_95 = arith.constant 2 : i32
        %add3A_96 = arith.addi %add3A_43, %add3A_95 : i32
        %dma_start3A_97 = arith.constant 0 : i32
        %dma_start3A_98 = arith.constant 0 : i32
        %dma_start3A_99 = tpu.memref_slice %arg4[%add3A, %add3A_96, %dma_start3A_97, %dma_start3A_98] : memref<32x80x1x128xi32, #tpu.memory_space<hbm>> -> memref<1x1x1x128xi32, #tpu.memory_space<hbm>>
        %dma_start3A_100 = tpu.memref_squeeze %dma_start3A_99 : memref<1x1x1x128xi32, #tpu.memory_space<hbm>> -> memref<1x128xi32, #tpu.memory_space<hbm>>
        %dma_start3A_101 = arith.constant 0 : i32
        %dma_start3A_102 = arith.constant 0 : i32
        %dma_start3A_103 = tpu.memref_slice %arg4[%add3A, %add3A_96, %dma_start3A_101, %dma_start3A_102] : memref<32x80x1x128xi32, #tpu.memory_space<hbm>> -> memref<1x1x1x128xi32, #tpu.memory_space<hbm>>
        %dma_start3A_104 = tpu.memref_squeeze %dma_start3A_103 : memref<1x1x1x128xi32, #tpu.memory_space<hbm>> -> memref<1x128xi32, #tpu.memory_space<hbm>>
        tpu.enqueue_dma source(%dma_start3A_104 : memref<1x128xi32, #tpu.memory_space<hbm>>) target(%arg8 : memref<1x128xi32, #tpu.memory_space<vmem>>) target_semaphore(%arg15 : memref<!tpu.dma_semaphore, #tpu.memory_space<semaphore_mem>>)
      } else {
      }
      %add3A_61 = arith.constant 1 : i32
      %add3A_62 = arith.addi %add3A_43, %add3A_61 : i32
      %dma_wait3A_63 = arith.constant 0 : i32
      %dma_wait3A_64 = tpu.memref_slice %arg7[%add3A_62, %dma_wait3A_63] : memref<80x128xi32, #tpu.memory_space<vmem>> -> memref<1x128xi32, #tpu.memory_space<vmem>>
      %dma_wait3A_65 = tpu.memref_squeeze %dma_wait3A_64 : memref<1x128xi32, #tpu.memory_space<vmem>> -> memref<128xi32, #tpu.memory_space<vmem>>
      %dma_wait3A_66 = arith.constant 0 : i32
      %dma_wait3A_67 = arith.constant 0 : i32
      %dma_wait3A_68 = tpu.memref_slice %arg2[%dma_wait3A_66, %dma_wait3A_67] : memref<10240x64xf32, #tpu.memory_space<hbm>> -> memref<10240x64xf32, #tpu.memory_space<hbm>>
      tpu.wait_indirect_dma semaphore(%arg14 : memref<!tpu.dma_semaphore, #tpu.memory_space<semaphore_mem>>) src(%dma_wait3A_68 : memref<10240x64xf32, #tpu.memory_space<hbm>>) dst(%arg11 : memref<128x64xf32, #tpu.memory_space<vmem>>)
      %add3A_69 = arith.constant 1 : i32
      %add3A_70 = arith.addi %add3A_43, %add3A_69 : i32
      %dma_wait3A_71 = arith.constant 0 : i32
      %dma_wait3A_72 = arith.constant 0 : i32
      %dma_wait3A_73 = tpu.memref_slice %arg4[%add3A, %add3A_70, %dma_wait3A_71, %dma_wait3A_72] : memref<32x80x1x128xi32, #tpu.memory_space<hbm>> -> memref<1x1x1x128xi32, #tpu.memory_space<hbm>>
      %dma_wait3A_74 = tpu.memref_squeeze %dma_wait3A_73 : memref<1x1x1x128xi32, #tpu.memory_space<hbm>> -> memref<1x128xi32, #tpu.memory_space<hbm>>
      %dma_wait3A_75 = arith.constant 0 : i32
      %dma_wait3A_76 = arith.constant 0 : i32
      %dma_wait3A_77 = tpu.memref_slice %arg4[%add3A, %add3A_70, %dma_wait3A_75, %dma_wait3A_76] : memref<32x80x1x128xi32, #tpu.memory_space<hbm>> -> memref<1x1x1x128xi32, #tpu.memory_space<hbm>>
      %dma_wait3A_78 = tpu.memref_squeeze %dma_wait3A_77 : memref<1x1x1x128xi32, #tpu.memory_space<hbm>> -> memref<1x128xi32, #tpu.memory_space<hbm>>
      tpu.wait_dma2 semaphore(%arg16 : memref<!tpu.dma_semaphore, #tpu.memory_space<semaphore_mem>>) src(%dma_wait3A_78 : memref<1x128xi32, #tpu.memory_space<hbm>>) dst(%arg9 : memref<1x128xi32, #tpu.memory_space<vmem>>)
      %run_scoped3A_79 = arith.constant 0 : i32
      "tpu.region"() ({
        %run_scoped3A_87 = tpu.sem_alloc : memref<!tpu.dma_semaphore, #tpu.memory_space<semaphore_mem>>
        %dma_start3A_88 = arith.constant 0 : i32
        %dma_start3A_89 = tpu.memref_slice %arg9[%run_scoped3A_79, %dma_start3A_88] : memref<1x128xi32, #tpu.memory_space<vmem>> -> memref<1x128xi32, #tpu.memory_space<vmem>>
        %dma_start3A_90 = tpu.memref_squeeze %dma_start3A_89 : memref<1x128xi32, #tpu.memory_space<vmem>> -> memref<128xi32, #tpu.memory_space<vmem>>
        %dma_start3A_91 = arith.constant 0 : i32
        %dma_start3A_92 = arith.constant 0 : i32
        %dma_start3A_93 = tpu.memref_slice %arg12[%dma_start3A_91, %dma_start3A_92] : memref<10240x64xf32, #tpu.memory_space<vmem_shared>> -> memref<10240x64xf32, #tpu.memory_space<vmem_shared>>
        tpu.enqueue_indirect_dma source(%arg11 : memref<128x64xf32, #tpu.memory_space<vmem>>) target(%dma_start3A_93 : memref<10240x64xf32, #tpu.memory_space<vmem_shared>>) offsets(%dma_start3A_90 : memref<128xi32, #tpu.memory_space<vmem>>) semaphore(%run_scoped3A_87 : memref<!tpu.dma_semaphore, #tpu.memory_space<semaphore_mem>>) {add = true}
        %dma_wait3A_94 = arith.constant 0 : i32
        %dma_wait3A_95 = tpu.memref_slice %arg9[%run_scoped3A_79, %dma_wait3A_94] : memref<1x128xi32, #tpu.memory_space<vmem>> -> memref<1x128xi32, #tpu.memory_space<vmem>>
        %dma_wait3A_96 = tpu.memref_squeeze %dma_wait3A_95 : memref<1x128xi32, #tpu.memory_space<vmem>> -> memref<128xi32, #tpu.memory_space<vmem>>
        %dma_wait3A_97 = arith.constant 0 : i32
        %dma_wait3A_98 = arith.constant 0 : i32
        %dma_wait3A_99 = tpu.memref_slice %arg12[%dma_wait3A_97, %dma_wait3A_98] : memref<10240x64xf32, #tpu.memory_space<vmem_shared>> -> memref<10240x64xf32, #tpu.memory_space<vmem_shared>>
        tpu.wait_indirect_dma semaphore(%run_scoped3A_87 : memref<!tpu.dma_semaphore, #tpu.memory_space<semaphore_mem>>) src(%arg11 : memref<128x64xf32, #tpu.memory_space<vmem>>) dst(%dma_wait3A_99 : memref<10240x64xf32, #tpu.memory_space<vmem_shared>>)
        tpu.yield
      }) : () -> ()
      %add3A_80 = arith.constant 3 : i32
      %add3A_81 = arith.addi %add3A_43, %add3A_80 : i32
      %lt3A_82 = arith.constant 80 : i32
      %lt3A_83 = arith.cmpi slt, %add3A_81, %lt3A_82 : i32
      %convert_element_type3A_84 = arith.extui %lt3A_83 : i1 to i32
      %cond3A_85 = arith.constant 0 : i32
      %cond3A_86 = arith.cmpi ne, %convert_element_type3A_84, %cond3A_85 : i32
      scf.if %cond3A_86 {
        %add3A_87 = arith.constant 3 : i32
        %add3A_88 = arith.addi %add3A_43, %add3A_87 : i32
        %dma_start3A_89 = arith.constant 0 : i32
        %dma_start3A_90 = tpu.memref_slice %arg7[%add3A_88, %dma_start3A_89] : memref<80x128xi32, #tpu.memory_space<vmem>> -> memref<1x128xi32, #tpu.memory_space<vmem>>
        %dma_start3A_91 = tpu.memref_squeeze %dma_start3A_90 : memref<1x128xi32, #tpu.memory_space<vmem>> -> memref<128xi32, #tpu.memory_space<vmem>>
        %dma_start3A_92 = arith.constant 0 : i32
        %dma_start3A_93 = arith.constant 0 : i32
        %dma_start3A_94 = tpu.memref_slice %arg2[%dma_start3A_92, %dma_start3A_93] : memref<10240x64xf32, #tpu.memory_space<hbm>> -> memref<10240x64xf32, #tpu.memory_space<hbm>>
        tpu.enqueue_indirect_dma source(%dma_start3A_94 : memref<10240x64xf32, #tpu.memory_space<hbm>>) target(%arg11 : memref<128x64xf32, #tpu.memory_space<vmem>>) offsets(%dma_start3A_91 : memref<128xi32, #tpu.memory_space<vmem>>) semaphore(%arg14 : memref<!tpu.dma_semaphore, #tpu.memory_space<semaphore_mem>>)
        %add3A_95 = arith.constant 3 : i32
        %add3A_96 = arith.addi %add3A_43, %add3A_95 : i32
        %dma_start3A_97 = arith.constant 0 : i32
        %dma_start3A_98 = arith.constant 0 : i32
        %dma_start3A_99 = tpu.memref_slice %arg4[%add3A, %add3A_96, %dma_start3A_97, %dma_start3A_98] : memref<32x80x1x128xi32, #tpu.memory_space<hbm>> -> memref<1x1x1x128xi32, #tpu.memory_space<hbm>>
        %dma_start3A_100 = tpu.memref_squeeze %dma_start3A_99 : memref<1x1x1x128xi32, #tpu.memory_space<hbm>> -> memref<1x128xi32, #tpu.memory_space<hbm>>
        %dma_start3A_101 = arith.constant 0 : i32
        %dma_start3A_102 = arith.constant 0 : i32
        %dma_start3A_103 = tpu.memref_slice %arg4[%add3A, %add3A_96, %dma_start3A_101, %dma_start3A_102] : memref<32x80x1x128xi32, #tpu.memory_space<hbm>> -> memref<1x1x1x128xi32, #tpu.memory_space<hbm>>
        %dma_start3A_104 = tpu.memref_squeeze %dma_start3A_103 : memref<1x1x1x128xi32, #tpu.memory_space<hbm>> -> memref<1x128xi32, #tpu.memory_space<hbm>>
        tpu.enqueue_dma source(%dma_start3A_104 : memref<1x128xi32, #tpu.memory_space<hbm>>) target(%arg9 : memref<1x128xi32, #tpu.memory_space<vmem>>) target_semaphore(%arg16 : memref<!tpu.dma_semaphore, #tpu.memory_space<semaphore_mem>>)
      } else {
      }
    }
    %scan3A_37 = arith.constant 40 : i32
    %barrier3A_38 = arith.constant 0 : index
    tpu.barrier barrier_id(%barrier3A_38)
    "tpu.region"() ({
      %run_scoped3A = tpu.sem_alloc : memref<!tpu.dma_semaphore, #tpu.memory_space<semaphore_mem>>
      %dma_start3A_39 = arith.constant 0 : i32
      %dma_start3A_40 = tpu.memref_slice %arg6[%arg0, %mul3A_2, %dma_start3A_39] : memref<2x10240x64xf32, #tpu.memory_space<hbm>> -> memref<1x640x64xf32, #tpu.memory_space<hbm>>
      %dma_start3A_41 = tpu.memref_squeeze %dma_start3A_40 : memref<1x640x64xf32, #tpu.memory_space<hbm>> -> memref<640x64xf32, #tpu.memory_space<hbm>>
      %dma_start3A_42 = arith.constant 0 : i32
      %dma_start3A_43 = tpu.memref_slice %arg12[%mul3A_2, %dma_start3A_42] : memref<10240x64xf32, #tpu.memory_space<vmem_shared>> -> memref<640x64xf32, #tpu.memory_space<vmem_shared>>
      tpu.enqueue_dma source(%dma_start3A_43 : memref<640x64xf32, #tpu.memory_space<vmem_shared>>) target(%dma_start3A_41 : memref<640x64xf32, #tpu.memory_space<hbm>>) target_semaphore(%run_scoped3A : memref<!tpu.dma_semaphore, #tpu.memory_space<semaphore_mem>>)
      %dma_wait3A = arith.constant 0 : i32
      %dma_wait3A_44 = tpu.memref_slice %arg6[%arg0, %mul3A_2, %dma_wait3A] : memref<2x10240x64xf32, #tpu.memory_space<hbm>> -> memref<1x640x64xf32, #tpu.memory_space<hbm>>
      %dma_wait3A_45 = tpu.memref_squeeze %dma_wait3A_44 : memref<1x640x64xf32, #tpu.memory_space<hbm>> -> memref<640x64xf32, #tpu.memory_space<hbm>>
      %dma_wait3A_46 = arith.constant 0 : i32
      %dma_wait3A_47 = tpu.memref_slice %arg12[%mul3A_2, %dma_wait3A_46] : memref<10240x64xf32, #tpu.memory_space<vmem_shared>> -> memref<640x64xf32, #tpu.memory_space<vmem_shared>>
      tpu.wait_dma2 semaphore(%run_scoped3A : memref<!tpu.dma_semaphore, #tpu.memory_space<semaphore_mem>>) src(%dma_wait3A_47 : memref<640x64xf32, #tpu.memory_space<vmem_shared>>) dst(%dma_wait3A_45 : memref<640x64xf32, #tpu.memory_space<hbm>>)
      tpu.yield
    }) : () -> ()
    return
  }
}

#map = affine_map<(d0, d1) -> (0, 0)>
#map1 = affine_map<(d0, d1) -> (0, 0, 0)>
#map2 = affine_map<(d0, d1) -> (0, 0, 0, 0)>
module attributes {stable_mosaic.version = 14 : i64} {
  func.func @k(%arg0: i32, %arg1: i32, %arg2: memref<10240x128xf32, #tpu.memory_space<hbm>>, %arg3: memref<32x80x128xi32, #tpu.memory_space<hbm>>, %arg4: memref<32x80x1x128xi32, #tpu.memory_space<hbm>>, %arg5: memref<640x128xf32, #tpu.memory_space<hbm>>, %arg6: memref<2x10240x128xf32, #tpu.memory_space<hbm>>, %arg7: memref<80x128xi32, #tpu.memory_space<vmem>>, %arg8: memref<1x128xi32, #tpu.memory_space<vmem>>, %arg9: memref<1x128xi32, #tpu.memory_space<vmem>>, %arg10: memref<128x128xf32, #tpu.memory_space<vmem>>, %arg11: memref<128x128xf32, #tpu.memory_space<vmem>>, %arg12: memref<10240x128xf32, #tpu.memory_space<vmem_shared>>, %arg13: memref<!tpu.dma_semaphore, #tpu.memory_space<semaphore_mem>>, %arg14: memref<!tpu.dma_semaphore, #tpu.memory_space<semaphore_mem>>, %arg15: memref<!tpu.dma_semaphore, #tpu.memory_space<semaphore_mem>>, %arg16: memref<!tpu.dma_semaphore, #tpu.memory_space<semaphore_mem>>) attributes {dimension_semantics = [#tpu.dimension_semantics<core_parallel>, #tpu.dimension_semantics<subcore_parallel>], iteration_bounds = array<i64: 2, 16>, scalar_prefetch = 0 : i64, scratch_operands = 10 : i64, tpu.core_type = #tpu.core_type<sc_vector_subcore>, window_params = [{transform_indices = #map}, {transform_indices = #map1}, {transform_indices = #map2}, {transform_indices = #map}, {transform_indices = #map1}]} {
    %mul3A = arith.constant 2 : i32
    %mul3A_0 = arith.muli %arg1, %mul3A : i32
    %add3A = arith.addi %mul3A_0, %arg0 : i32
    "tpu.region"() ({
      %run_scoped3A = tpu.sem_alloc : memref<!tpu.dma_semaphore, #tpu.memory_space<semaphore_mem>>
      %dma_start3A_39 = arith.constant 0 : i32
      %dma_start3A_40 = arith.constant 0 : i32
      %dma_start3A_41 = tpu.memref_slice %arg3[%add3A, %dma_start3A_39, %dma_start3A_40] : memref<32x80x128xi32, #tpu.memory_space<hbm>> -> memref<1x80x128xi32, #tpu.memory_space<hbm>>
      %dma_start3A_42 = tpu.memref_squeeze %dma_start3A_41 : memref<1x80x128xi32, #tpu.memory_space<hbm>> -> memref<80x128xi32, #tpu.memory_space<hbm>>
      %dma_start3A_43 = arith.constant 0 : i32
      %dma_start3A_44 = arith.constant 0 : i32
      %dma_start3A_45 = tpu.memref_slice %arg3[%add3A, %dma_start3A_43, %dma_start3A_44] : memref<32x80x128xi32, #tpu.memory_space<hbm>> -> memref<1x80x128xi32, #tpu.memory_space<hbm>>
      %dma_start3A_46 = tpu.memref_squeeze %dma_start3A_45 : memref<1x80x128xi32, #tpu.memory_space<hbm>> -> memref<80x128xi32, #tpu.memory_space<hbm>>
      tpu.enqueue_dma source(%dma_start3A_46 : memref<80x128xi32, #tpu.memory_space<hbm>>) target(%arg7 : memref<80x128xi32, #tpu.memory_space<vmem>>) target_semaphore(%run_scoped3A : memref<!tpu.dma_semaphore, #tpu.memory_space<semaphore_mem>>)
      %dma_wait3A = arith.constant 0 : i32
      %dma_wait3A_47 = arith.constant 0 : i32
      %dma_wait3A_48 = tpu.memref_slice %arg3[%add3A, %dma_wait3A, %dma_wait3A_47] : memref<32x80x128xi32, #tpu.memory_space<hbm>> -> memref<1x80x128xi32, #tpu.memory_space<hbm>>
      %dma_wait3A_49 = tpu.memref_squeeze %dma_wait3A_48 : memref<1x80x128xi32, #tpu.memory_space<hbm>> -> memref<80x128xi32, #tpu.memory_space<hbm>>
      %dma_wait3A_50 = arith.constant 0 : i32
      %dma_wait3A_51 = arith.constant 0 : i32
      %dma_wait3A_52 = tpu.memref_slice %arg3[%add3A, %dma_wait3A_50, %dma_wait3A_51] : memref<32x80x128xi32, #tpu.memory_space<hbm>> -> memref<1x80x128xi32, #tpu.memory_space<hbm>>
      %dma_wait3A_53 = tpu.memref_squeeze %dma_wait3A_52 : memref<1x80x128xi32, #tpu.memory_space<hbm>> -> memref<80x128xi32, #tpu.memory_space<hbm>>
      tpu.wait_dma2 semaphore(%run_scoped3A : memref<!tpu.dma_semaphore, #tpu.memory_space<semaphore_mem>>) src(%dma_wait3A_53 : memref<80x128xi32, #tpu.memory_space<hbm>>) dst(%arg7 : memref<80x128xi32, #tpu.memory_space<vmem>>)
      tpu.yield
    }) : () -> ()
    %mul3A_1 = arith.constant 640 : i32
    %mul3A_2 = arith.muli %arg1, %mul3A_1 : i32
    "tpu.region"() ({
      %run_scoped3A = tpu.sem_alloc : memref<!tpu.dma_semaphore, #tpu.memory_space<semaphore_mem>>
      %dma_start3A_39 = arith.constant 0 : i32
      %dma_start3A_40 = tpu.memref_slice %arg12[%mul3A_2, %dma_start3A_39] : memref<10240x128xf32, #tpu.memory_space<vmem_shared>> -> memref<640x128xf32, #tpu.memory_space<vmem_shared>>
      tpu.enqueue_dma source(%arg5 : memref<640x128xf32, #tpu.memory_space<hbm>>) target(%dma_start3A_40 : memref<640x128xf32, #tpu.memory_space<vmem_shared>>) target_semaphore(%run_scoped3A : memref<!tpu.dma_semaphore, #tpu.memory_space<semaphore_mem>>)
      %dma_wait3A = arith.constant 0 : i32
      %dma_wait3A_41 = tpu.memref_slice %arg12[%mul3A_2, %dma_wait3A] : memref<10240x128xf32, #tpu.memory_space<vmem_shared>> -> memref<640x128xf32, #tpu.memory_space<vmem_shared>>
      tpu.wait_dma2 semaphore(%run_scoped3A : memref<!tpu.dma_semaphore, #tpu.memory_space<semaphore_mem>>) src(%arg5 : memref<640x128xf32, #tpu.memory_space<hbm>>) dst(%dma_wait3A_41 : memref<640x128xf32, #tpu.memory_space<vmem_shared>>)
      tpu.yield
    }) : () -> ()
    %barrier3A = arith.constant 0 : index
    tpu.barrier barrier_id(%barrier3A)
    %dma_start3A = arith.constant 0 : i32
    %dma_start3A_3 = arith.constant 0 : i32
    %dma_start3A_4 = arith.constant 0 : i32
    %dma_start3A_5 = tpu.memref_slice %arg4[%add3A, %dma_start3A, %dma_start3A_3, %dma_start3A_4] : memref<32x80x1x128xi32, #tpu.memory_space<hbm>> -> memref<1x1x1x128xi32, #tpu.memory_space<hbm>>
    %dma_start3A_6 = tpu.memref_squeeze %dma_start3A_5 : memref<1x1x1x128xi32, #tpu.memory_space<hbm>> -> memref<1x128xi32, #tpu.memory_space<hbm>>
    %dma_start3A_7 = arith.constant 0 : i32
    %dma_start3A_8 = arith.constant 0 : i32
    %dma_start3A_9 = tpu.memref_slice %arg4[%add3A, %dma_start3A, %dma_start3A_7, %dma_start3A_8] : memref<32x80x1x128xi32, #tpu.memory_space<hbm>> -> memref<1x1x1x128xi32, #tpu.memory_space<hbm>>
    %dma_start3A_10 = tpu.memref_squeeze %dma_start3A_9 : memref<1x1x1x128xi32, #tpu.memory_space<hbm>> -> memref<1x128xi32, #tpu.memory_space<hbm>>
    tpu.enqueue_dma source(%dma_start3A_10 : memref<1x128xi32, #tpu.memory_space<hbm>>) target(%arg8 : memref<1x128xi32, #tpu.memory_space<vmem>>) target_semaphore(%arg15 : memref<!tpu.dma_semaphore, #tpu.memory_space<semaphore_mem>>)
    %dma_start3A_11 = arith.constant 1 : i32
    %dma_start3A_12 = arith.constant 0 : i32
    %dma_start3A_13 = arith.constant 0 : i32
    %dma_start3A_14 = tpu.memref_slice %arg4[%add3A, %dma_start3A_11, %dma_start3A_12, %dma_start3A_13] : memref<32x80x1x128xi32, #tpu.memory_space<hbm>> -> memref<1x1x1x128xi32, #tpu.memory_space<hbm>>
    %dma_start3A_15 = tpu.memref_squeeze %dma_start3A_14 : memref<1x1x1x128xi32, #tpu.memory_space<hbm>> -> memref<1x128xi32, #tpu.memory_space<hbm>>
    %dma_start3A_16 = arith.constant 0 : i32
    %dma_start3A_17 = arith.constant 0 : i32
    %dma_start3A_18 = tpu.memref_slice %arg4[%add3A, %dma_start3A_11, %dma_start3A_16, %dma_start3A_17] : memref<32x80x1x128xi32, #tpu.memory_space<hbm>> -> memref<1x1x1x128xi32, #tpu.memory_space<hbm>>
    %dma_start3A_19 = tpu.memref_squeeze %dma_start3A_18 : memref<1x1x1x128xi32, #tpu.memory_space<hbm>> -> memref<1x128xi32, #tpu.memory_space<hbm>>
    tpu.enqueue_dma source(%dma_start3A_19 : memref<1x128xi32, #tpu.memory_space<hbm>>) target(%arg9 : memref<1x128xi32, #tpu.memory_space<vmem>>) target_semaphore(%arg16 : memref<!tpu.dma_semaphore, #tpu.memory_space<semaphore_mem>>)
    %dma_start3A_20 = arith.constant 0 : i32
    %dma_start3A_21 = arith.constant 0 : i32
    %dma_start3A_22 = tpu.memref_slice %arg7[%dma_start3A_20, %dma_start3A_21] : memref<80x128xi32, #tpu.memory_space<vmem>> -> memref<1x128xi32, #tpu.memory_space<vmem>>
    %dma_start3A_23 = tpu.memref_squeeze %dma_start3A_22 : memref<1x128xi32, #tpu.memory_space<vmem>> -> memref<128xi32, #tpu.memory_space<vmem>>
    %dma_start3A_24 = arith.constant 0 : i32
    %dma_start3A_25 = arith.constant 0 : i32
    %dma_start3A_26 = tpu.memref_slice %arg2[%dma_start3A_24, %dma_start3A_25] : memref<10240x128xf32, #tpu.memory_space<hbm>> -> memref<10240x128xf32, #tpu.memory_space<hbm>>
    tpu.enqueue_indirect_dma source(%dma_start3A_26 : memref<10240x128xf32, #tpu.memory_space<hbm>>) target(%arg10 : memref<128x128xf32, #tpu.memory_space<vmem>>) offsets(%dma_start3A_23 : memref<128xi32, #tpu.memory_space<vmem>>) semaphore(%arg13 : memref<!tpu.dma_semaphore, #tpu.memory_space<semaphore_mem>>)
    %dma_start3A_27 = arith.constant 1 : i32
    %dma_start3A_28 = arith.constant 0 : i32
    %dma_start3A_29 = tpu.memref_slice %arg7[%dma_start3A_27, %dma_start3A_28] : memref<80x128xi32, #tpu.memory_space<vmem>> -> memref<1x128xi32, #tpu.memory_space<vmem>>
    %dma_start3A_30 = tpu.memref_squeeze %dma_start3A_29 : memref<1x128xi32, #tpu.memory_space<vmem>> -> memref<128xi32, #tpu.memory_space<vmem>>
    %dma_start3A_31 = arith.constant 0 : i32
    %dma_start3A_32 = arith.constant 0 : i32
    %dma_start3A_33 = tpu.memref_slice %arg2[%dma_start3A_31, %dma_start3A_32] : memref<10240x128xf32, #tpu.memory_space<hbm>> -> memref<10240x128xf32, #tpu.memory_space<hbm>>
    tpu.enqueue_indirect_dma source(%dma_start3A_33 : memref<10240x128xf32, #tpu.memory_space<hbm>>) target(%arg11 : memref<128x128xf32, #tpu.memory_space<vmem>>) offsets(%dma_start3A_30 : memref<128xi32, #tpu.memory_space<vmem>>) semaphore(%arg14 : memref<!tpu.dma_semaphore, #tpu.memory_space<semaphore_mem>>)
    %scan3A = arith.constant 0 : i32
    %scan3A_34 = arith.constant 40 : i32
    %scan3A_35 = arith.addi %scan3A, %scan3A_34 : i32
    %scan3A_36 = arith.constant 1 : i32
    scf.for %scan3A_39 = %scan3A to %scan3A_35 step %scan3A_36  : i32 {
      %mul3A_40 = arith.constant 2 : i32
      %mul3A_41 = arith.muli %scan3A_39, %mul3A_40 : i32
      %add3A_42 = arith.constant 0 : i32
      %add3A_43 = arith.addi %add3A_42, %mul3A_41 : i32
      %dma_wait3A = arith.constant 0 : i32
      %dma_wait3A_44 = tpu.memref_slice %arg7[%add3A_43, %dma_wait3A] : memref<80x128xi32, #tpu.memory_space<vmem>> -> memref<1x128xi32, #tpu.memory_space<vmem>>
      %dma_wait3A_45 = tpu.memref_squeeze %dma_wait3A_44 : memref<1x128xi32, #tpu.memory_space<vmem>> -> memref<128xi32, #tpu.memory_space<vmem>>
      %dma_wait3A_46 = arith.constant 0 : i32
      %dma_wait3A_47 = arith.constant 0 : i32
      %dma_wait3A_48 = tpu.memref_slice %arg2[%dma_wait3A_46, %dma_wait3A_47] : memref<10240x128xf32, #tpu.memory_space<hbm>> -> memref<10240x128xf32, #tpu.memory_space<hbm>>
      tpu.wait_indirect_dma semaphore(%arg13 : memref<!tpu.dma_semaphore, #tpu.memory_space<semaphore_mem>>) src(%dma_wait3A_48 : memref<10240x128xf32, #tpu.memory_space<hbm>>) dst(%arg10 : memref<128x128xf32, #tpu.memory_space<vmem>>)
      %dma_wait3A_49 = arith.constant 0 : i32
      %dma_wait3A_50 = arith.constant 0 : i32
      %dma_wait3A_51 = tpu.memref_slice %arg4[%add3A, %add3A_43, %dma_wait3A_49, %dma_wait3A_50] : memref<32x80x1x128xi32, #tpu.memory_space<hbm>> -> memref<1x1x1x128xi32, #tpu.memory_space<hbm>>
      %dma_wait3A_52 = tpu.memref_squeeze %dma_wait3A_51 : memref<1x1x1x128xi32, #tpu.memory_space<hbm>> -> memref<1x128xi32, #tpu.memory_space<hbm>>
      %dma_wait3A_53 = arith.constant 0 : i32
      %dma_wait3A_54 = arith.constant 0 : i32
      %dma_wait3A_55 = tpu.memref_slice %arg4[%add3A, %add3A_43, %dma_wait3A_53, %dma_wait3A_54] : memref<32x80x1x128xi32, #tpu.memory_space<hbm>> -> memref<1x1x1x128xi32, #tpu.memory_space<hbm>>
      %dma_wait3A_56 = tpu.memref_squeeze %dma_wait3A_55 : memref<1x1x1x128xi32, #tpu.memory_space<hbm>> -> memref<1x128xi32, #tpu.memory_space<hbm>>
      tpu.wait_dma2 semaphore(%arg15 : memref<!tpu.dma_semaphore, #tpu.memory_space<semaphore_mem>>) src(%dma_wait3A_56 : memref<1x128xi32, #tpu.memory_space<hbm>>) dst(%arg8 : memref<1x128xi32, #tpu.memory_space<vmem>>)
      %run_scoped3A = arith.constant 0 : i32
      "tpu.region"() ({
        %run_scoped3A_87 = tpu.sem_alloc : memref<!tpu.dma_semaphore, #tpu.memory_space<semaphore_mem>>
        %dma_start3A_88 = arith.constant 0 : i32
        %dma_start3A_89 = tpu.memref_slice %arg8[%run_scoped3A, %dma_start3A_88] : memref<1x128xi32, #tpu.memory_space<vmem>> -> memref<1x128xi32, #tpu.memory_space<vmem>>
        %dma_start3A_90 = tpu.memref_squeeze %dma_start3A_89 : memref<1x128xi32, #tpu.memory_space<vmem>> -> memref<128xi32, #tpu.memory_space<vmem>>
        %dma_start3A_91 = arith.constant 0 : i32
        %dma_start3A_92 = arith.constant 0 : i32
        %dma_start3A_93 = tpu.memref_slice %arg12[%dma_start3A_91, %dma_start3A_92] : memref<10240x128xf32, #tpu.memory_space<vmem_shared>> -> memref<10240x128xf32, #tpu.memory_space<vmem_shared>>
        tpu.enqueue_indirect_dma source(%arg10 : memref<128x128xf32, #tpu.memory_space<vmem>>) target(%dma_start3A_93 : memref<10240x128xf32, #tpu.memory_space<vmem_shared>>) offsets(%dma_start3A_90 : memref<128xi32, #tpu.memory_space<vmem>>) semaphore(%run_scoped3A_87 : memref<!tpu.dma_semaphore, #tpu.memory_space<semaphore_mem>>) {add = true}
        %dma_wait3A_94 = arith.constant 0 : i32
        %dma_wait3A_95 = tpu.memref_slice %arg8[%run_scoped3A, %dma_wait3A_94] : memref<1x128xi32, #tpu.memory_space<vmem>> -> memref<1x128xi32, #tpu.memory_space<vmem>>
        %dma_wait3A_96 = tpu.memref_squeeze %dma_wait3A_95 : memref<1x128xi32, #tpu.memory_space<vmem>> -> memref<128xi32, #tpu.memory_space<vmem>>
        %dma_wait3A_97 = arith.constant 0 : i32
        %dma_wait3A_98 = arith.constant 0 : i32
        %dma_wait3A_99 = tpu.memref_slice %arg12[%dma_wait3A_97, %dma_wait3A_98] : memref<10240x128xf32, #tpu.memory_space<vmem_shared>> -> memref<10240x128xf32, #tpu.memory_space<vmem_shared>>
        tpu.wait_indirect_dma semaphore(%run_scoped3A_87 : memref<!tpu.dma_semaphore, #tpu.memory_space<semaphore_mem>>) src(%arg10 : memref<128x128xf32, #tpu.memory_space<vmem>>) dst(%dma_wait3A_99 : memref<10240x128xf32, #tpu.memory_space<vmem_shared>>)
        tpu.yield
      }) : () -> ()
      %add3A_57 = arith.constant 2 : i32
      %add3A_58 = arith.addi %add3A_43, %add3A_57 : i32
      %lt3A = arith.constant 80 : i32
      %lt3A_59 = arith.cmpi slt, %add3A_58, %lt3A : i32
      %convert_element_type3A = arith.extui %lt3A_59 : i1 to i32
      %cond3A = arith.constant 0 : i32
      %cond3A_60 = arith.cmpi ne, %convert_element_type3A, %cond3A : i32
      scf.if %cond3A_60 {
        %add3A_87 = arith.constant 2 : i32
        %add3A_88 = arith.addi %add3A_43, %add3A_87 : i32
        %dma_start3A_89 = arith.constant 0 : i32
        %dma_start3A_90 = tpu.memref_slice %arg7[%add3A_88, %dma_start3A_89] : memref<80x128xi32, #tpu.memory_space<vmem>> -> memref<1x128xi32, #tpu.memory_space<vmem>>
        %dma_start3A_91 = tpu.memref_squeeze %dma_start3A_90 : memref<1x128xi32, #tpu.memory_space<vmem>> -> memref<128xi32, #tpu.memory_space<vmem>>
        %dma_start3A_92 = arith.constant 0 : i32
        %dma_start3A_93 = arith.constant 0 : i32
        %dma_start3A_94 = tpu.memref_slice %arg2[%dma_start3A_92, %dma_start3A_93] : memref<10240x128xf32, #tpu.memory_space<hbm>> -> memref<10240x128xf32, #tpu.memory_space<hbm>>
        tpu.enqueue_indirect_dma source(%dma_start3A_94 : memref<10240x128xf32, #tpu.memory_space<hbm>>) target(%arg10 : memref<128x128xf32, #tpu.memory_space<vmem>>) offsets(%dma_start3A_91 : memref<128xi32, #tpu.memory_space<vmem>>) semaphore(%arg13 : memref<!tpu.dma_semaphore, #tpu.memory_space<semaphore_mem>>)
        %add3A_95 = arith.constant 2 : i32
        %add3A_96 = arith.addi %add3A_43, %add3A_95 : i32
        %dma_start3A_97 = arith.constant 0 : i32
        %dma_start3A_98 = arith.constant 0 : i32
        %dma_start3A_99 = tpu.memref_slice %arg4[%add3A, %add3A_96, %dma_start3A_97, %dma_start3A_98] : memref<32x80x1x128xi32, #tpu.memory_space<hbm>> -> memref<1x1x1x128xi32, #tpu.memory_space<hbm>>
        %dma_start3A_100 = tpu.memref_squeeze %dma_start3A_99 : memref<1x1x1x128xi32, #tpu.memory_space<hbm>> -> memref<1x128xi32, #tpu.memory_space<hbm>>
        %dma_start3A_101 = arith.constant 0 : i32
        %dma_start3A_102 = arith.constant 0 : i32
        %dma_start3A_103 = tpu.memref_slice %arg4[%add3A, %add3A_96, %dma_start3A_101, %dma_start3A_102] : memref<32x80x1x128xi32, #tpu.memory_space<hbm>> -> memref<1x1x1x128xi32, #tpu.memory_space<hbm>>
        %dma_start3A_104 = tpu.memref_squeeze %dma_start3A_103 : memref<1x1x1x128xi32, #tpu.memory_space<hbm>> -> memref<1x128xi32, #tpu.memory_space<hbm>>
        tpu.enqueue_dma source(%dma_start3A_104 : memref<1x128xi32, #tpu.memory_space<hbm>>) target(%arg8 : memref<1x128xi32, #tpu.memory_space<vmem>>) target_semaphore(%arg15 : memref<!tpu.dma_semaphore, #tpu.memory_space<semaphore_mem>>)
      } else {
      }
      %add3A_61 = arith.constant 1 : i32
      %add3A_62 = arith.addi %add3A_43, %add3A_61 : i32
      %dma_wait3A_63 = arith.constant 0 : i32
      %dma_wait3A_64 = tpu.memref_slice %arg7[%add3A_62, %dma_wait3A_63] : memref<80x128xi32, #tpu.memory_space<vmem>> -> memref<1x128xi32, #tpu.memory_space<vmem>>
      %dma_wait3A_65 = tpu.memref_squeeze %dma_wait3A_64 : memref<1x128xi32, #tpu.memory_space<vmem>> -> memref<128xi32, #tpu.memory_space<vmem>>
      %dma_wait3A_66 = arith.constant 0 : i32
      %dma_wait3A_67 = arith.constant 0 : i32
      %dma_wait3A_68 = tpu.memref_slice %arg2[%dma_wait3A_66, %dma_wait3A_67] : memref<10240x128xf32, #tpu.memory_space<hbm>> -> memref<10240x128xf32, #tpu.memory_space<hbm>>
      tpu.wait_indirect_dma semaphore(%arg14 : memref<!tpu.dma_semaphore, #tpu.memory_space<semaphore_mem>>) src(%dma_wait3A_68 : memref<10240x128xf32, #tpu.memory_space<hbm>>) dst(%arg11 : memref<128x128xf32, #tpu.memory_space<vmem>>)
      %add3A_69 = arith.constant 1 : i32
      %add3A_70 = arith.addi %add3A_43, %add3A_69 : i32
      %dma_wait3A_71 = arith.constant 0 : i32
      %dma_wait3A_72 = arith.constant 0 : i32
      %dma_wait3A_73 = tpu.memref_slice %arg4[%add3A, %add3A_70, %dma_wait3A_71, %dma_wait3A_72] : memref<32x80x1x128xi32, #tpu.memory_space<hbm>> -> memref<1x1x1x128xi32, #tpu.memory_space<hbm>>
      %dma_wait3A_74 = tpu.memref_squeeze %dma_wait3A_73 : memref<1x1x1x128xi32, #tpu.memory_space<hbm>> -> memref<1x128xi32, #tpu.memory_space<hbm>>
      %dma_wait3A_75 = arith.constant 0 : i32
      %dma_wait3A_76 = arith.constant 0 : i32
      %dma_wait3A_77 = tpu.memref_slice %arg4[%add3A, %add3A_70, %dma_wait3A_75, %dma_wait3A_76] : memref<32x80x1x128xi32, #tpu.memory_space<hbm>> -> memref<1x1x1x128xi32, #tpu.memory_space<hbm>>
      %dma_wait3A_78 = tpu.memref_squeeze %dma_wait3A_77 : memref<1x1x1x128xi32, #tpu.memory_space<hbm>> -> memref<1x128xi32, #tpu.memory_space<hbm>>
      tpu.wait_dma2 semaphore(%arg16 : memref<!tpu.dma_semaphore, #tpu.memory_space<semaphore_mem>>) src(%dma_wait3A_78 : memref<1x128xi32, #tpu.memory_space<hbm>>) dst(%arg9 : memref<1x128xi32, #tpu.memory_space<vmem>>)
      %run_scoped3A_79 = arith.constant 0 : i32
      "tpu.region"() ({
        %run_scoped3A_87 = tpu.sem_alloc : memref<!tpu.dma_semaphore, #tpu.memory_space<semaphore_mem>>
        %dma_start3A_88 = arith.constant 0 : i32
        %dma_start3A_89 = tpu.memref_slice %arg9[%run_scoped3A_79, %dma_start3A_88] : memref<1x128xi32, #tpu.memory_space<vmem>> -> memref<1x128xi32, #tpu.memory_space<vmem>>
        %dma_start3A_90 = tpu.memref_squeeze %dma_start3A_89 : memref<1x128xi32, #tpu.memory_space<vmem>> -> memref<128xi32, #tpu.memory_space<vmem>>
        %dma_start3A_91 = arith.constant 0 : i32
        %dma_start3A_92 = arith.constant 0 : i32
        %dma_start3A_93 = tpu.memref_slice %arg12[%dma_start3A_91, %dma_start3A_92] : memref<10240x128xf32, #tpu.memory_space<vmem_shared>> -> memref<10240x128xf32, #tpu.memory_space<vmem_shared>>
        tpu.enqueue_indirect_dma source(%arg11 : memref<128x128xf32, #tpu.memory_space<vmem>>) target(%dma_start3A_93 : memref<10240x128xf32, #tpu.memory_space<vmem_shared>>) offsets(%dma_start3A_90 : memref<128xi32, #tpu.memory_space<vmem>>) semaphore(%run_scoped3A_87 : memref<!tpu.dma_semaphore, #tpu.memory_space<semaphore_mem>>) {add = true}
        %dma_wait3A_94 = arith.constant 0 : i32
        %dma_wait3A_95 = tpu.memref_slice %arg9[%run_scoped3A_79, %dma_wait3A_94] : memref<1x128xi32, #tpu.memory_space<vmem>> -> memref<1x128xi32, #tpu.memory_space<vmem>>
        %dma_wait3A_96 = tpu.memref_squeeze %dma_wait3A_95 : memref<1x128xi32, #tpu.memory_space<vmem>> -> memref<128xi32, #tpu.memory_space<vmem>>
        %dma_wait3A_97 = arith.constant 0 : i32
        %dma_wait3A_98 = arith.constant 0 : i32
        %dma_wait3A_99 = tpu.memref_slice %arg12[%dma_wait3A_97, %dma_wait3A_98] : memref<10240x128xf32, #tpu.memory_space<vmem_shared>> -> memref<10240x128xf32, #tpu.memory_space<vmem_shared>>
        tpu.wait_indirect_dma semaphore(%run_scoped3A_87 : memref<!tpu.dma_semaphore, #tpu.memory_space<semaphore_mem>>) src(%arg11 : memref<128x128xf32, #tpu.memory_space<vmem>>) dst(%dma_wait3A_99 : memref<10240x128xf32, #tpu.memory_space<vmem_shared>>)
        tpu.yield
      }) : () -> ()
      %add3A_80 = arith.constant 3 : i32
      %add3A_81 = arith.addi %add3A_43, %add3A_80 : i32
      %lt3A_82 = arith.constant 80 : i32
      %lt3A_83 = arith.cmpi slt, %add3A_81, %lt3A_82 : i32
      %convert_element_type3A_84 = arith.extui %lt3A_83 : i1 to i32
      %cond3A_85 = arith.constant 0 : i32
      %cond3A_86 = arith.cmpi ne, %convert_element_type3A_84, %cond3A_85 : i32
      scf.if %cond3A_86 {
        %add3A_87 = arith.constant 3 : i32
        %add3A_88 = arith.addi %add3A_43, %add3A_87 : i32
        %dma_start3A_89 = arith.constant 0 : i32
        %dma_start3A_90 = tpu.memref_slice %arg7[%add3A_88, %dma_start3A_89] : memref<80x128xi32, #tpu.memory_space<vmem>> -> memref<1x128xi32, #tpu.memory_space<vmem>>
        %dma_start3A_91 = tpu.memref_squeeze %dma_start3A_90 : memref<1x128xi32, #tpu.memory_space<vmem>> -> memref<128xi32, #tpu.memory_space<vmem>>
        %dma_start3A_92 = arith.constant 0 : i32
        %dma_start3A_93 = arith.constant 0 : i32
        %dma_start3A_94 = tpu.memref_slice %arg2[%dma_start3A_92, %dma_start3A_93] : memref<10240x128xf32, #tpu.memory_space<hbm>> -> memref<10240x128xf32, #tpu.memory_space<hbm>>
        tpu.enqueue_indirect_dma source(%dma_start3A_94 : memref<10240x128xf32, #tpu.memory_space<hbm>>) target(%arg11 : memref<128x128xf32, #tpu.memory_space<vmem>>) offsets(%dma_start3A_91 : memref<128xi32, #tpu.memory_space<vmem>>) semaphore(%arg14 : memref<!tpu.dma_semaphore, #tpu.memory_space<semaphore_mem>>)
        %add3A_95 = arith.constant 3 : i32
        %add3A_96 = arith.addi %add3A_43, %add3A_95 : i32
        %dma_start3A_97 = arith.constant 0 : i32
        %dma_start3A_98 = arith.constant 0 : i32
        %dma_start3A_99 = tpu.memref_slice %arg4[%add3A, %add3A_96, %dma_start3A_97, %dma_start3A_98] : memref<32x80x1x128xi32, #tpu.memory_space<hbm>> -> memref<1x1x1x128xi32, #tpu.memory_space<hbm>>
        %dma_start3A_100 = tpu.memref_squeeze %dma_start3A_99 : memref<1x1x1x128xi32, #tpu.memory_space<hbm>> -> memref<1x128xi32, #tpu.memory_space<hbm>>
        %dma_start3A_101 = arith.constant 0 : i32
        %dma_start3A_102 = arith.constant 0 : i32
        %dma_start3A_103 = tpu.memref_slice %arg4[%add3A, %add3A_96, %dma_start3A_101, %dma_start3A_102] : memref<32x80x1x128xi32, #tpu.memory_space<hbm>> -> memref<1x1x1x128xi32, #tpu.memory_space<hbm>>
        %dma_start3A_104 = tpu.memref_squeeze %dma_start3A_103 : memref<1x1x1x128xi32, #tpu.memory_space<hbm>> -> memref<1x128xi32, #tpu.memory_space<hbm>>
        tpu.enqueue_dma source(%dma_start3A_104 : memref<1x128xi32, #tpu.memory_space<hbm>>) target(%arg9 : memref<1x128xi32, #tpu.memory_space<vmem>>) target_semaphore(%arg16 : memref<!tpu.dma_semaphore, #tpu.memory_space<semaphore_mem>>)
      } else {
      }
    }
    %scan3A_37 = arith.constant 40 : i32
    %barrier3A_38 = arith.constant 0 : index
    tpu.barrier barrier_id(%barrier3A_38)
    "tpu.region"() ({
      %run_scoped3A = tpu.sem_alloc : memref<!tpu.dma_semaphore, #tpu.memory_space<semaphore_mem>>
      %dma_start3A_39 = arith.constant 0 : i32
      %dma_start3A_40 = tpu.memref_slice %arg6[%arg0, %mul3A_2, %dma_start3A_39] : memref<2x10240x128xf32, #tpu.memory_space<hbm>> -> memref<1x640x128xf32, #tpu.memory_space<hbm>>
      %dma_start3A_41 = tpu.memref_squeeze %dma_start3A_40 : memref<1x640x128xf32, #tpu.memory_space<hbm>> -> memref<640x128xf32, #tpu.memory_space<hbm>>
      %dma_start3A_42 = arith.constant 0 : i32
      %dma_start3A_43 = tpu.memref_slice %arg12[%mul3A_2, %dma_start3A_42] : memref<10240x128xf32, #tpu.memory_space<vmem_shared>> -> memref<640x128xf32, #tpu.memory_space<vmem_shared>>
      tpu.enqueue_dma source(%dma_start3A_43 : memref<640x128xf32, #tpu.memory_space<vmem_shared>>) target(%dma_start3A_41 : memref<640x128xf32, #tpu.memory_space<hbm>>) target_semaphore(%run_scoped3A : memref<!tpu.dma_semaphore, #tpu.memory_space<semaphore_mem>>)
      %dma_wait3A = arith.constant 0 : i32
      %dma_wait3A_44 = tpu.memref_slice %arg6[%arg0, %mul3A_2, %dma_wait3A] : memref<2x10240x128xf32, #tpu.memory_space<hbm>> -> memref<1x640x128xf32, #tpu.memory_space<hbm>>
      %dma_wait3A_45 = tpu.memref_squeeze %dma_wait3A_44 : memref<1x640x128xf32, #tpu.memory_space<hbm>> -> memref<640x128xf32, #tpu.memory_space<hbm>>
      %dma_wait3A_46 = arith.constant 0 : i32
      %dma_wait3A_47 = tpu.memref_slice %arg12[%mul3A_2, %dma_wait3A_46] : memref<10240x128xf32, #tpu.memory_space<vmem_shared>> -> memref<640x128xf32, #tpu.memory_space<vmem_shared>>
      tpu.wait_dma2 semaphore(%run_scoped3A : memref<!tpu.dma_semaphore, #tpu.memory_space<semaphore_mem>>) src(%dma_wait3A_47 : memref<640x128xf32, #tpu.memory_space<vmem_shared>>) dst(%dma_wait3A_45 : memref<640x128xf32, #tpu.memory_space<hbm>>)
      tpu.yield
    }) : () -> ()
    return
  }
}

module attributes {stable_mosaic.version = 14 : i64} {
  func.func @body(%arg0: memref<10000x128xf32, #tpu.memory_space<vmem>>, %arg1: memref<128x128xf32, #tpu.memory_space<vmem>>, %arg2: memref<10240x128xf32, #tpu.memory_space<vmem>>) attributes {dimension_semantics = [], scalar_prefetch = 0 : i64, scratch_operands = 0 : i64, tpu.core_type = #tpu.core_type<tc>} {
    %get3A = arith.constant 0 : index
    %get3A_0 = arith.constant 0 : index
    %get3A_1 = vector.load %arg0[%get3A, %get3A_0] : memref<10000x128xf32, #tpu.memory_space<vmem>>, vector<10000x128xf32>
    %get3A_2 = arith.constant 0 : index
    %get3A_3 = arith.constant 0 : index
    %get3A_4 = vector.load %arg1[%get3A_2, %get3A_3] : memref<128x128xf32, #tpu.memory_space<vmem>>, vector<128x128xf32>
    %dot_general3A = arith.constant dense<0.000000e+00> : vector<10000x128xf32>
    %dot_general3A_5 = tpu.matmul %get3A_1, %get3A_4, %dot_general3A {dimension_numbers = #tpu.dot_dimension_numbers<[1], [0], [0], [1], [0, 0, 1, 1], [], []>, transpose_lhs_hint = false} : vector<10000x128xf32>, vector<128x128xf32>, vector<10000x128xf32> -> vector<10000x128xf32>
    %jit3A = arith.constant 0 : i32
    %convert_element_type3A = arith.sitofp %jit3A : i32 to f32
    %pad3A = vector.broadcast %convert_element_type3A : f32 to vector<240x128xf32>
    %pad3A_6 = tpu.concatenate %dot_general3A_5, %pad3A in 0 : vector<10000x128xf32>, vector<240x128xf32> -> vector<10240x128xf32>
    %swap3A = arith.constant 0 : index
    %swap3A_7 = arith.constant 0 : index
    %swap3A_8 = vector.load %arg2[%swap3A, %swap3A_7] : memref<10240x128xf32, #tpu.memory_space<vmem>>, vector<10240x128xf32>
    tpu.vector_store %arg2[%swap3A, %swap3A_7], %pad3A_6 {strides = array<i32>} : memref<10240x128xf32, #tpu.memory_space<vmem>>, vector<10240x128xf32>,
    return
  }
}

module attributes {stable_mosaic.version = 14 : i64} {
  func.func @body(%arg0: memref<2x10240x128xf32, #tpu.memory_space<vmem>>, %arg1: memref<32x10240xf32, #tpu.memory_space<vmem>>, %arg2: memref<10000x128xf32, #tpu.memory_space<vmem>>, %arg3: memref<128x128xf32, #tpu.memory_space<vmem>>, %arg4: memref<1x128xf32, #tpu.memory_space<vmem>>, %arg5: memref<128x64xf32, #tpu.memory_space<vmem>>, %arg6: memref<128x64xf32, #tpu.memory_space<vmem>>, %arg7: memref<10240x64xf32, #tpu.memory_space<vmem>>, %arg8: memref<10000x64xf32, #tpu.memory_space<vmem>>) attributes {dimension_semantics = [], scalar_prefetch = 0 : i64, scratch_operands = 0 : i64, tpu.core_type = #tpu.core_type<tc>} {
    %get3A = arith.constant 0 : index
    %get3A_0 = arith.constant 0 : index
    %get3A_1 = arith.constant 0 : index
    %get3A_2 = vector.load %arg0[%get3A, %get3A_0, %get3A_1] : memref<2x10240x128xf32, #tpu.memory_space<vmem>>, vector<1x10000x128xf32>
    %get3A_3 = vector.shape_cast %get3A_2 : vector<1x10000x128xf32> to vector<10000x128xf32>
    %get3A_4 = arith.constant 1 : index
    %get3A_5 = arith.constant 0 : index
    %get3A_6 = arith.constant 0 : index
    %get3A_7 = vector.load %arg0[%get3A_4, %get3A_5, %get3A_6] : memref<2x10240x128xf32, #tpu.memory_space<vmem>>, vector<1x10000x128xf32>
    %get3A_8 = vector.shape_cast %get3A_7 : vector<1x10000x128xf32> to vector<10000x128xf32>
    %add3A = arith.addf %get3A_3, %get3A_8 : vector<10000x128xf32>
    %get3A_9 = arith.constant 0 : index
    %get3A_10 = arith.constant 0 : index
    %get3A_11 = vector.load %arg1[%get3A_9, %get3A_10] : memref<32x10240xf32, #tpu.memory_space<vmem>>, vector<32x10240xf32>
    %reduce_sum3A = arith.constant dense<0.000000e+00> : vector<10240xf32>
    %reduce_sum3A_12 = vector.multi_reduction <add>, %get3A_11, %reduce_sum3A [0] : vector<32x10240xf32> to vector<10240xf32>
    %slice3A = vector.extract_strided_slice %reduce_sum3A_12 {offsets = [0], sizes = [10000], strides = [1]} : vector<10240xf32> to vector<10000xf32>
    %max3A = arith.constant 1.000000e+00 : f32
    %max3A_13 = vector.broadcast %max3A : f32 to vector<10000xf32>
    %max3A_14 = arith.maximumf %slice3A, %max3A_13 : vector<10000xf32>
    %reshape3A = vector.shape_cast %max3A_14 : vector<10000xf32> to vector<10000x1xf32>
    %div3A = vector.broadcast %reshape3A : vector<10000x1xf32> to vector<10000x128xf32>
    %div3A_15 = arith.divf %add3A, %div3A : vector<10000x128xf32>
    %get3A_16 = arith.constant 0 : index
    %get3A_17 = arith.constant 0 : index
    %get3A_18 = vector.load %arg4[%get3A_16, %get3A_17] : memref<1x128xf32, #tpu.memory_space<vmem>>, vector<1x128xf32>
    %add3A_19 = vector.broadcast %get3A_18 : vector<1x128xf32> to vector<10000x128xf32>
    %add3A_20 = arith.addf %div3A_15, %add3A_19 : vector<10000x128xf32>
    %get3A_21 = arith.constant 0 : index
    %get3A_22 = arith.constant 0 : index
    %get3A_23 = vector.load %arg2[%get3A_21, %get3A_22] : memref<10000x128xf32, #tpu.memory_space<vmem>>, vector<10000x128xf32>
    %get3A_24 = arith.constant 0 : index
    %get3A_25 = arith.constant 0 : index
    %get3A_26 = vector.load %arg3[%get3A_24, %get3A_25] : memref<128x128xf32, #tpu.memory_space<vmem>>, vector<128x128xf32>
    %dot_general3A = arith.constant dense<0.000000e+00> : vector<10000x128xf32>
    %dot_general3A_27 = tpu.matmul %get3A_23, %get3A_26, %dot_general3A {dimension_numbers = #tpu.dot_dimension_numbers<[1], [0], [0], [1], [0, 0, 1, 1], [], []>, transpose_lhs_hint = false} : vector<10000x128xf32>, vector<128x128xf32>, vector<10000x128xf32> -> vector<10000x128xf32>
    %add3A_28 = arith.addf %add3A_20, %dot_general3A_27 : vector<10000x128xf32>
    %max3A_29 = arith.constant 0.000000e+00 : f32
    %max3A_30 = vector.broadcast %max3A_29 : f32 to vector<10000x128xf32>
    %max3A_31 = arith.maximumf %add3A_28, %max3A_30 : vector<10000x128xf32>
    %get3A_32 = arith.constant 0 : index
    %get3A_33 = arith.constant 0 : index
    %get3A_34 = vector.load %arg5[%get3A_32, %get3A_33] : memref<128x64xf32, #tpu.memory_space<vmem>>, vector<128x64xf32>
    %dot_general3A_35 = arith.constant dense<0.000000e+00> : vector<10000x64xf32>
    %dot_general3A_36 = tpu.matmul %max3A_31, %get3A_34, %dot_general3A_35 {dimension_numbers = #tpu.dot_dimension_numbers<[1], [0], [0], [1], [0, 0, 1, 1], [], []>, transpose_lhs_hint = false} : vector<10000x128xf32>, vector<128x64xf32>, vector<10000x64xf32> -> vector<10000x64xf32>
    %jit3A = arith.constant 0 : i32
    %convert_element_type3A = arith.sitofp %jit3A : i32 to f32
    %pad3A = vector.broadcast %convert_element_type3A : f32 to vector<240x64xf32>
    %pad3A_37 = tpu.concatenate %dot_general3A_36, %pad3A in 0 : vector<10000x64xf32>, vector<240x64xf32> -> vector<10240x64xf32>
    %swap3A = arith.constant 0 : index
    %swap3A_38 = arith.constant 0 : index
    %swap3A_39 = vector.load %arg7[%swap3A, %swap3A_38] : memref<10240x64xf32, #tpu.memory_space<vmem>>, vector<10240x64xf32>
    tpu.vector_store %arg7[%swap3A, %swap3A_38], %pad3A_37 {strides = array<i32>} : memref<10240x64xf32, #tpu.memory_space<vmem>>, vector<10240x64xf32>,
    %get3A_40 = arith.constant 0 : index
    %get3A_41 = arith.constant 0 : index
    %get3A_42 = vector.load %arg6[%get3A_40, %get3A_41] : memref<128x64xf32, #tpu.memory_space<vmem>>, vector<128x64xf32>
    %dot_general3A_43 = arith.constant dense<0.000000e+00> : vector<10000x64xf32>
    %dot_general3A_44 = tpu.matmul %max3A_31, %get3A_42, %dot_general3A_43 {dimension_numbers = #tpu.dot_dimension_numbers<[1], [0], [0], [1], [0, 0, 1, 1], [], []>, transpose_lhs_hint = false} : vector<10000x128xf32>, vector<128x64xf32>, vector<10000x64xf32> -> vector<10000x64xf32>
    %swap3A_45 = arith.constant 0 : index
    %swap3A_46 = arith.constant 0 : index
    %swap3A_47 = vector.load %arg8[%swap3A_45, %swap3A_46] : memref<10000x64xf32, #tpu.memory_space<vmem>>, vector<10000x64xf32>
    tpu.vector_store %arg8[%swap3A_45, %swap3A_46], %dot_general3A_44 {strides = array<i32>} : memref<10000x64xf32, #tpu.memory_space<vmem>>, vector<10000x64xf32>,
    return
  }
}

module attributes {stable_mosaic.version = 14 : i64} {
  func.func @body(%arg0: memref<2x10240x64xf32, #tpu.memory_space<vmem>>, %arg1: memref<32x10240xf32, #tpu.memory_space<vmem>>, %arg2: memref<10000x64xf32, #tpu.memory_space<vmem>>, %arg3: memref<1x64xf32, #tpu.memory_space<vmem>>, %arg4: memref<10000x64xf32, #tpu.memory_space<vmem>>) attributes {dimension_semantics = [], scalar_prefetch = 0 : i64, scratch_operands = 0 : i64, tpu.core_type = #tpu.core_type<tc>} {
    %get3A = arith.constant 0 : index
    %get3A_0 = arith.constant 0 : index
    %get3A_1 = arith.constant 0 : index
    %get3A_2 = vector.load %arg0[%get3A, %get3A_0, %get3A_1] : memref<2x10240x64xf32, #tpu.memory_space<vmem>>, vector<1x10000x64xf32>
    %get3A_3 = vector.shape_cast %get3A_2 : vector<1x10000x64xf32> to vector<10000x64xf32>
    %get3A_4 = arith.constant 1 : index
    %get3A_5 = arith.constant 0 : index
    %get3A_6 = arith.constant 0 : index
    %get3A_7 = vector.load %arg0[%get3A_4, %get3A_5, %get3A_6] : memref<2x10240x64xf32, #tpu.memory_space<vmem>>, vector<1x10000x64xf32>
    %get3A_8 = vector.shape_cast %get3A_7 : vector<1x10000x64xf32> to vector<10000x64xf32>
    %add3A = arith.addf %get3A_3, %get3A_8 : vector<10000x64xf32>
    %get3A_9 = arith.constant 0 : index
    %get3A_10 = arith.constant 0 : index
    %get3A_11 = vector.load %arg1[%get3A_9, %get3A_10] : memref<32x10240xf32, #tpu.memory_space<vmem>>, vector<32x10240xf32>
    %reduce_sum3A = arith.constant dense<0.000000e+00> : vector<10240xf32>
    %reduce_sum3A_12 = vector.multi_reduction <add>, %get3A_11, %reduce_sum3A [0] : vector<32x10240xf32> to vector<10240xf32>
    %slice3A = vector.extract_strided_slice %reduce_sum3A_12 {offsets = [0], sizes = [10000], strides = [1]} : vector<10240xf32> to vector<10000xf32>
    %max3A = arith.constant 1.000000e+00 : f32
    %max3A_13 = vector.broadcast %max3A : f32 to vector<10000xf32>
    %max3A_14 = arith.maximumf %slice3A, %max3A_13 : vector<10000xf32>
    %reshape3A = vector.shape_cast %max3A_14 : vector<10000xf32> to vector<10000x1xf32>
    %div3A = vector.broadcast %reshape3A : vector<10000x1xf32> to vector<10000x64xf32>
    %div3A_15 = arith.divf %add3A, %div3A : vector<10000x64xf32>
    %get3A_16 = arith.constant 0 : index
    %get3A_17 = arith.constant 0 : index
    %get3A_18 = vector.load %arg3[%get3A_16, %get3A_17] : memref<1x64xf32, #tpu.memory_space<vmem>>, vector<1x64xf32>
    %add3A_19 = vector.broadcast %get3A_18 : vector<1x64xf32> to vector<10000x64xf32>
    %add3A_20 = arith.addf %div3A_15, %add3A_19 : vector<10000x64xf32>
    %get3A_21 = arith.constant 0 : index
    %get3A_22 = arith.constant 0 : index
    %get3A_23 = vector.load %arg2[%get3A_21, %get3A_22] : memref<10000x64xf32, #tpu.memory_space<vmem>>, vector<10000x64xf32>
    %add3A_24 = arith.addf %add3A_20, %get3A_23 : vector<10000x64xf32>
    %swap3A = arith.constant 0 : index
    %swap3A_25 = arith.constant 0 : index
    %swap3A_26 = vector.load %arg4[%swap3A, %swap3A_25] : memref<10000x64xf32, #tpu.memory_space<vmem>>, vector<10000x64xf32>
    tpu.vector_store %arg4[%swap3A, %swap3A_25], %add3A_24 {strides = array<i32>} : memref<10000x64xf32, #tpu.memory_space<vmem>>, vector<10000x64xf32>,
    return
  }
}

</mosaic_0001>

<sc_bundles>
// kernel: kernel.11.cloned.1.call-start
scs
__scs_entry_jumppad:
0x0: {  	(pc) =	sbr.rel $0x88, $3  }
0x1: {  	(tag) =	ssettag $0x0;
	lr =	simm.s32 $0x1  }
0x2: {  	[smem:$0x3F98] =	sst lr;
	_ =	strace $0xD0000000  }
0x3: {  	_ = 	snop  }
0x4: {  	_ = 	snop  }
0x5: {  	_ = 	snop  }
0x6: {  	_ = 	snop  }
0x7: {  	_ = 	snop  }
__scs_overlays_trampoline_lowered:
0x8: {  	[smem:$0x3FA7] =	sst s0  }
0x9: {  	[smem:$0x3FA8] =	sst s1  }
0xa: {  	[smem:$0x3FA9] =	sst s2  }
0xb: {  	[smem:$0x3FAA] =	sst s3  }
0xc: {  	[smem:$0x3FAB] =	sst s4  }
0xd: {  	[smem:$0x3FAC] =	sst s5  }
0xe: {  	[smem:$0x3FAD] =	sst s6  }
0xf: {  	[smem:$0x3FAE] =	sst s7  }
0x10: {  	[smem:$0x3FAF] =	sst s8  }
0x11: {  	[smem:$0x3FB0] =	sst s9;
	s0 =	simm.s32 @!p0 $0x0  }
0x12: {  	s1 =	sld [smem:$0x3F96];
	s0 =	simm.s32 @p0 $0x1  }
0x13: {  	[smem:$0x3FB1] =	sst s0;
	s0 =	simm.s32 @!p1 $0x0  }
0x14: {  	s2 =	sld [smem:$0x3F95];
	s0 =	simm.s32 @p1 $0x1  }
0x15: {  	[smem:$0x3FB2] =	sst s0;
	s0 =	simm.s32 @!p2 $0x0  }
0x16: {  	s3 =	sld [smem:$0x3FDB];
	s0 =	simm.s32 @p2 $0x1  }
0x17: {  	s4 =	simm.s32 $0x1BF5;
	[smem:$0x3FB4] =	sst s0  }
0x18: {  	s0 =	sld [smem:$0x3F97];
	_ =	swait.ge [sflag:s4], $0x0  }
0x19: {  	s7 =	sld [smem:$0x3F98]  }
0x1a: {  	s8 =	sadd.s32 $0xFFFFE003, lr  }
0x1b: {  	s9 =	sadd.s32 $0xFFFFFEF7, lr;
	s5 =	simm.s32 $0xFFFFFFFF;
	p2 =	slt.u32 s8, $0xFFFFF086  }
0x1c: {  	p1 =	slt.u32 s9, $0xF7A;
	s5 =	simm.s32 @!p2 $0x0  }
0x1d: {  	s5 =	simm.s32 @p1 $0x1;
	p0 =	seq.s32 s7, s2  }
0x1e: {  	s7 =	smul.u32 @!p0 $0xF7A, s2;
	p2 =	seq.s32 @!p0 s5, $0x0  }
0x1f: {  	s9 =	smul.u32 $0xF7A, s1;
	s8 =	simm.s32 @!p0 $0x1BF5;
	p2 =	por !p2, p0  }
0x20: {  	[sflag:s8] =	ssyncset.s32 @!p0 $0xFFFFF086;
	s6 =	sadd.s32 @!p0 s3, s7;
	s7 =	simm.s32 @!p0 $0x108  }
0x21: {  	s3 =	sadd.s32 s3, s9;
	s6 =	sadd.s32 @!p0 $0x88, s6;
	s7 =	simm.s32 @p2 $0x1082  }
0x22: {  	[simem:s7], [sflag:s8] =	dma.local @!p0 [hbm:s6], $0xF7A  }
0x23: {  	s9 =	sor.u32 $0xD0000000, s2;
	s6 =	simm.s32 $0x108;
	_ =	swait.ge @!p0 [sflag:s8], $0x0  }
0x24: {  	s3 =	sadd.s32 $0x88, s3;
	s6 =	simm.s32 @!p1 $0x1082;
	[sflag:s4] =	ssyncset.s32 $0xFFFFF086  }
0x25: {  	[simem:s6], [sflag:s4] =	dma.local [hbm:s3], $0xF7A  }
0x26: {  	[smem:$0x3F98] =	sst s1;
	(tag) =	ssettag s2;
	_ =	strace s9  }
0x27: {  	s1 =	sld [smem:$0x3FA8]  }
0x28: {  	s2 =	sld [smem:$0x3FA9]  }
0x29: {  	s4 =	sld [smem:$0x3FAB]  }
0x2a: {  	p0 =	seq.s32 s5, $0x0;
	s5 =	sld [smem:$0x3FAC]  }
0x2b: {  	s6 =	sld [smem:$0x3FAD]  }
0x2c: {  	s7 =	sld [smem:$0x3FAE]  }
0x2d: {  	s3 =	simm.s32 $0x108;
	s8 =	sld [smem:$0x3FAF]  }
0x2e: {  	s3 =	simm.s32 @!p0 $0x1082;
	s9 =	sld [smem:$0x3FB0]  }
0x2f: {  	lr =	sadd.s32 s0, s3;
	s0 =	sld [smem:$0x3FA7]  }
0x30: {  	s3 =	sld [smem:$0x3FAA]  }
0x31: {  	[smem:$0x3FB3] =	sst s10  }
0x32: {  	s10 =	sld [smem:$0x3FB1];
	_ =	sdelay $0x3  }
0x33: {  	p0 =	seq.s32 s10, $0x1;
	s10 =	sld [smem:$0x3FB3];
	_ =	sdelay $0x3  }
0x34: {  	[smem:$0x3FB3] =	sst s10  }
0x35: {  	s10 =	sld [smem:$0x3FB2];
	_ =	sdelay $0x3  }
0x36: {  	p1 =	seq.s32 s10, $0x1;
	s10 =	sld [smem:$0x3FB3];
	_ =	sdelay $0x3  }
0x37: {  	[smem:$0x3FB3] =	sst s10  }
0x38: {  	s10 =	sld [smem:$0x3FB4]  }
0x39: {  	_ = 	snop;
	(pc) =	sbr.ind lr, $3  }
0x3a: {  	_ = 	snop  }
0x3b: {  	_ = 	snop  }
0x3c: {  	p2 =	seq.s32 s10, $0x1;
	s10 =	sld [smem:$0x3FB3]  }
0x3d: {  	_ =	shalt  }
0x3e: {  	_ =	shalt  }
0x3f: {  	_ =	shalt  }
0x40: {  	_ =	shalt  }
0x41: {  	_ =	shalt  }
0x42: {  	_ =	shalt  }
0x43: {  	_ =	shalt  }
0x44: {  	_ =	shalt  }
0x45: {  	_ =	shalt  }
0x46: {  	_ =	shalt  }
0x47: {  	_ =	shalt  }
0x48: {  	_ =	shalt  }
0x49: {  	_ =	shalt  }
0x4a: {  	_ =	shalt  }
0x4b: {  	_ =	shalt  }
0x4c: {  	_ =	shalt  }
0x4d: {  	_ =	shalt  }
0x4e: {  	_ =	shalt  }
0x4f: {  	_ =	shalt  }
0x50: {  	_ =	shalt  }
0x51: {  	_ =	shalt  }
0x52: {  	_ =	shalt  }
0x53: {  	_ =	shalt  }
0x54: {  	_ =	shalt  }
0x55: {  	_ =	shalt  }
0x56: {  	_ =	shalt  }
0x57: {  	_ =	shalt  }
0x58: {  	_ =	shalt  }
0x59: {  	_ =	shalt  }
0x5a: {  	_ =	shalt  }
0x5b: {  	_ =	shalt  }
0x5c: {  	_ =	shalt  }
0x5d: {  	_ =	shalt  }
0x5e: {  	_ =	shalt  }
0x5f: {  	_ =	shalt  }
0x60: {  	_ =	shalt  }
0x61: {  	_ =	shalt  }
0x62: {  	_ =	shalt  }
0x63: {  	_ =	shalt  }
0x64: {  	_ =	shalt  }
0x65: {  	_ =	shalt  }
0x66: {  	_ =	shalt  }
0x67: {  	_ =	shalt  }
0x68: {  	_ =	shalt  }
0x69: {  	_ =	shalt  }
0x6a: {  	_ =	shalt  }
0x6b: {  	_ =	shalt  }
0x6c: {  	_ =	shalt  }
0x6d: {  	_ =	shalt  }
0x6e: {  	_ =	shalt  }
0x6f: {  	_ =	shalt  }
0x70: {  	_ =	shalt  }
0x71: {  	_ =	shalt  }
0x72: {  	_ =	shalt  }
0x73: {  	_ =	shalt  }
0x74: {  	_ =	shalt  }
0x75: {  	_ =	shalt  }
0x76: {  	_ =	shalt  }
0x77: {  	_ =	shalt  }
0x78: {  	_ =	shalt  }
0x79: {  	_ =	shalt  }
0x7a: {  	_ =	shalt  }
0x7b: {  	_ =	shalt  }
0x7c: {  	_ =	shalt  }
0x7d: {  	_ =	shalt  }
0x7e: {  	_ =	shalt  }
0x7f: {  	_ =	shalt  }
0x80: {  	_ =	shalt  }
0x81: {  	_ =	shalt  }
0x82: {  	_ =	shalt  }
0x83: {  	_ =	shalt  }
0x84: {  	_ =	shalt  }
0x85: {  	_ =	shalt  }
0x86: {  	_ =	shalt  }
0x87: {  	_ =	shalt  }
.Lfunc_end0:
.L_simem_size_0:
called_computation.1_lowered:
.L_overlay_start_0:
0x88: {  	s2 =	sld [smem:$0x3FD9]  }
0x89: {  	s3 =	sld [smem:$0x3FFE];
	_ =	sdelay $0x1  }
0x8a: {  	s1 =	srdreg.scid  }
0x8b: {  	s0 =	sand.u32 $0x1, s1  }
0x8c: {  	s17 =	sshll.u32 s0, $0xA;
	s2 =	sadd.s32 s3, s2  }
0x8d: {  	s2 =	sadd.s32 s2, s17  }
0x8e: {  	[smem:$0x3FBF] =	sst s2  }
0x8f: {  	_ = 	snop  }
0x90: {  	(tm) =	ssettm $0x1  }
0x91: {  	s18 =	sld [smem:$0x3FFB];
	_ =	sdelay $0x3  }
0x92: {  	_ =	strace s18  }
0x93: {  	s2 =	sld [smem:$0x3FFC];
	_ =	sdelay $0x3  }
0x94: {  	_ =	strace s2  }
0x95: {  	s2 =	sld [smem:$0x3FFD];
	_ =	sdelay $0x3  }
0x96: {  	_ =	strace s2  }
0x97: {  	_ =	strace $0x8FFFFFFF  }
0x98: {  	s19 =	sld [smem:$0x3FDB];
	_ =	sdelay $0x1  }
0x99: {  	s20 =	simm.s32 $_scs_section_size  }
0x9a: {  	s4 =	simm.s32 $_size__tile_overlayer_lowered;
	s5 =	simm.s32 $_tile_overlayer_lowered  }
0x9b: {  	s6 =	simm.s32 $0x1BFF;
	s21 =	sshll.u32 s5, $0x1;
	s3 =	sadd.s32 s20, s19  }
0x9c: {  	s22 =	simm.s32 $0x0;
	s4 =	sshll.u32 s4, $0x1;
	s5 =	sadd.s32 s21, s3  }
0x9d: {  	[timem:s22], [sflag:s6] =	dma.local [hbm:s5], s4  }
0x9e: {  	_ =	swait.ge [sflag:s6], s4  }
0x9f: {  	s4 =	ssub.s32 $0x0, s4;
	[sflag:s6] =	ssyncset.done $0x0  }
0xa0: {  	[sflag:s6] =	ssyncadd.s32 s4;
	_ =	sdelay $0x1  }
0xa1: {  	s23 =	simm.s32 $0x1B8B  }
0xa2: {  	_ =	swait.ge [sflag:s23], $0x1  }
0xa3: {  	[sflag:s23] =	ssyncset.done $0x0  }
0xa4: {  	[sflag:s23] =	ssyncadd.s32 $0xFFFFFFFF  }
0xa5: {  	s4 =	sld [smem:$0x0]  }
0xa6: {  	s5 =	sand.u32 $0xFFFFFFFE, s1  }
0xa7: {  	p0 =	sne.s32 s1, s5  }
0xa8: {  	s5 =	sshll.u32 @p0 s5, $0xE  }
0xa9: {  	s5 =	sadd.s32 @p0 $0x11B8D, s5;
	s6 =	sshll.u32 @p0 s4, $0x11  }
0xaa: {  	s5 =	sor.u32 @p0 s6, s5  }
0xab: {  	[sflag:s5] =	ssyncadd.remote.s32 @p0 $0x1;
	_ =	sdelay $0x1  }
0xac: {  	s5 =	simm.s32 @p0 $0x1B8D  }
0xad: {  	_ =	swait.eq @p0 [sflag:s5], $0x1  }
0xae: {  	[sflag:s5] =	ssyncadd.s32 @p0 $0xFFFFFFFF  }
0xaf: {  	s6 =	sshll.u32 @!p0 s1, $0xE  }
0xb0: {  	s6 =	sor.u32 @!p0 $0x4000, s6;
	s5 =	simm.s32 @!p0 $0x1B8D  }
0xb1: {  	s4 =	sshll.u32 @!p0 s4, $0x11;
	s6 =	sadd.s32 @!p0 $0x11B8D, s6;
	_ =	swait.eq @!p0 [sflag:s5], $0x1  }
0xb2: {  	s4 =	sor.u32 @!p0 s4, s6;
	[sflag:s5] =	ssyncadd.s32 @!p0 $0xFFFFFFFF  }
0xb3: {  	s25 =	simm.s32 $0x1B8E;
	s24 =	sld [smem:$0x3FFE];
	[sflag:s4] =	ssyncadd.remote.s32 @!p0 $0x1  }
0xb4: {  	s26 =	simm.s32 $execute0_lowered;
	[smem:$0x3FD2] =	sst s25  }
0xb5: {  	s5 =	sshll.u32 s26, $0x1;
	_ =	strace $0x80000049;
	[dreg:$0x1] =	wrdreg $0xFFFFFFFF  }
0xb6: {  	s28 =	simm.s32 $_size_execute0_lowered;
	s3 =	sadd.s32 s3, s5;
	[dreg:$0x0] =	wrdreg $0x0  }
0xb7: {  	s5 =	sshll.u32 s28, $0x1;
	[dreg:$0x2] =	wrdreg s3  }
0xb8: {  	[dreg:$0x3] =	wrdreg s5  }
0xb9: {  	[dreg:$0x4] =	wrdreg $0xC0  }
0xba: {  	_ =	task [dreg:s22], $0x5FFFF  }
0xbb: {  	[dreg:$0x1] =	wrdreg $0xFFFFFFFF  }
0xbc: {  	[dreg:$0x0] =	wrdreg $0x60  }
0xbd: {  	[dreg:$0x2] =	wrdreg s24  }
0xbe: {  	[dreg:$0x3] =	wrdreg $0xA9000  }
0xbf: {  	[dreg:$0x4] =	wrdreg $0xA  }
0xc0: {  	_ =	task.clear_ibuf [dreg:s22], $0x5FFFF;
	_ =	strace $0x90000049  }
0xc1: {  	s29 =	simm.s32 $0xA;
	_ =	strace $0x8000004B  }
0xc2: {  	_ =	swait.ge [sflag:s29], $0x1  }
0xc3: {  	[sflag:s29] =	ssyncadd.s32 $0xFFFFFFFF  }
0xc4: {  	_ =	strace $0x9000004B  }
0xc5: {  	_ =	sfence  }
0xc6: {  	s30 =	sld [smem:$0x0];
	_ =	sdelay $0x2  }
0xc7: {  	s31 =	sshll.u32 s1, $0xD;
	s1 =	sshrl.u32 s1, $0x2  }
0xc8: {  	s4 =	sand.u32 $0x4000, s31;
	s1 =	sadd.s32 s1, s30  }
0xc9: {  	s0 =	sor.u32 s4, s0;
	s1 =	sshll.u32 s1, $0x11  }
0xca: {  	s0 =	sor.u32 s1, s0  }
0xcb: {  	s0 =	sadd.s32 $0x8F2B, s0  }
0xcc: {  	[sflag:s0] =	ssyncadd.remote.s32 $0x1  }
0xcd: {  	_ =	sfence.sel $0xFFFF  }
0xce: {  	[dreg:$0x0] =	wrdreg $0xFFFFFFFF;
	(pc) =	sbr.abs _section_cstart, $3  }
0xcf: {  	[dreg:$0x1] =	wrdreg $0xFFFFFFFF  }
0xd0: {  	_ =	task.clear_ibuf [dreg:s22], $0x2FFFF;
	_ =	strace $0x9FFFFFFF  }
0xd1: {  	(tm) =	ssettm $0x7FFFFFFF  }
tec
execute0_lowered:
.L_overlay_start_1:
0x0: {  	(tag) =	ssettag $0x1  }
0x1: {  	s1 =	srdreg.scid  }
0x2: {  	s0 =	stileid.u32;
	s6 =	rddreg [dreg:$0x0]  }
0x3: {  	s2 =	rddreg [dreg:$0x1];
	s3 =	simm.s32 $0x0;
	s16 =	simm.s32 $0x2800  }
0x4: {  	s17 =	simm.s32 $0x2880;
	s18 =	simm.s32 $0x80;
	s19 =	simm.s32 $0x2900  }
0x5: {  	s20 =	simm.s32 $0x6900;
	s21 =	simm.s32 $0x1;
	s22 =	simm.s32 $0x3  }
0x6: {  	s23 =	simm.s32 $0x2;
	s24 =	simm.s32 $0x4;
	s5 =	sand.u32 $0x1, s1  }
0x7: {  	s25 =	sshll.u32 s0, $0x1;
	s1 =	rddreg [dreg:$0x2];
	s8 =	smul.u32 $0x14000, s0  }
0x8: {  	[smem:$0x7FF] =	sst s3;
	s12 =	sadd.s32 $0xB800, s6;
	s13 =	smul.u32 $0x5000, s0  }
0x9: {  	s31 =	sshll.u32 s0, $0x6;
	s4 =	sor.u32 s5, s25;
	s9 =	smul.u32 $0x140000, s5  }
0xa: {  	_ =	strace $0x8000004A;
	s11 =	ssub.s32 $0x2, s5;
	s15 =	smul.u32 $0x2800, s5  }
0xb: {  	s5 =	sadd.s32 $0x6F800, s6;
	s25 =	simm.s32 $0x0;
	s4 =	smul.u32 $0x2800, s4  }
0xc: {  	s14 =	sshrl.u32 s11, $0x1;
	s28 =	sadd.s32 s8, s2;
	s9 =	sadd.s32 s8, s9  }
0xd: {  	s11 =	ssub.s32 s11, s14;
	s26 =	sadd.s32 s15, s13;
	s14 =	sor.u32 $0x1C05, s31  }
0xe: {  	s15 =	sshrl.u32 s28, $0x3;
	s7 =	sshrl.u32 s4, $0x3;
	s4 =	sadd.s32 $0x47800, s6  }
0xf: {  	s9 =	sshrl.u32 s9, $0x3;
	s13 =	sor.u32 $0x100, s26;
	s29 =	sor.u32 $0x180, s26  }
0x10: {  	s10 =	sadd.s32 s7, s6;
	s9 =	sadd.s32 s9, s6;
	s7 =	sadd.s32 s12, s7  }
0x11: {  	s13 =	sshrl.u32 s13, $0x3;
	s30 =	sshrl.u32 s29, $0x3;
	s6 =	sadd.s32 $0x1800, s10  }
0x12: {  	s8 =	sadd.s32 $0x10, s7;
	s9 =	sadd.s32 $0x72000, s9;
	s10 =	smax.u32 s11, $0x1  }
0x13: {  	s11 =	sadd.s32 s13, s12;
	s12 =	sadd.s32 s30, s12;
	s13 =	simm.s32 $0x5  }
.LBB2_1:
0x14: {  	[tilespmem:s3], [sflag:$0x5] =	stream.linear.gather [hbm4b:s6+s3], $0x2800, $0x38;
	[tilespmem:$0x1E900] =	vst v63  }
0x15: {  	_ =	swait.ge [sflag:s13], $0x2800  }
0x16: {  	[sflag:s13] =	ssyncset.done $0x0  }
0x17: {  	[sflag:s13] =	ssyncadd.s32 $0xFFFFD800  }
0x18: {  	[spmem:s15], [sflag:s14] =	dma.local [hbm:s5], $0x2800  }
0x19: {  	_ =	swait.ge [sflag:s13], $0x2800  }
0x1a: {  	[sflag:s13] =	ssyncset.done $0x0  }
0x1b: {  	[sflag:s13] =	ssyncadd.s32 $0xFFFFD800  }
0x1c: {  	[bflag:$0x0] =	sbarrier.arrive $0xFFFF  }
0x1d: {  	[tilespmem:s16], [sflag:$0x3] =	stream.linear.gather [hbm4b:s7+s3], $0x80, $0x38;
	[tilespmem:$0x1E900] =	vst v63  }
0x1e: {  	_ = 	snop  }
0x1f: {  	[tilespmem:s17], [sflag:$0x4] =	stream.linear.gather [hbm4b:s8+s3], $0x80, $0x38;
	[tilespmem:$0x1E900] =	vst v63  }
0x20: {  	_ = 	snop  }
0x21: {  	[tilespmem:s19], [sflag:$0x1] =	stream.indirect.gather [hbm4b:s4+s18], $0x80, s3, s18, $0xb8;
	[tilespmem:$0x1E900] =	vst v63  }
0x22: {  	_ = 	snop  }
0x23: {  	[tilespmem:s20], [sflag:$0x2] =	stream.indirect.gather [hbm4b:s4+s18], $0x80, s18, s18, $0xb8;
	[tilespmem:$0x1E900] =	vst v63  }
0x24: {  	_ =	swait.ge [sflag:s21], $0x4000  }
0x25: {  	[sflag:s21] =	ssyncset.done $0x0  }
0x26: {  	[sflag:s21] =	ssyncadd.s32 $0xFFFFC000  }
0x27: {  	_ =	swait.ge [sflag:s22], $0x80  }
0x28: {  	[sflag:s22] =	ssyncset.done $0x0  }
0x29: {  	[sflag:s22] =	ssyncadd.s32 $0xFFFFFF80  }
0x2a: {  	[spmem:s2] =	stream.indirect.scatter.add.f32 [tilespmem:s19], [sflag:$0x5], $0x80, s16, s18, $0xb8;
	[tilespmem:$0x1E900] =	vst v63  }
0x2b: {  	_ =	swait.ge [sflag:s13], $0x4000  }
0x2c: {  	[sflag:s13] =	ssyncset.done $0x0  }
0x2d: {  	s26 =	simm.s32 $0x100;
	[sflag:s13] =	ssyncadd.s32 $0xFFFFC000  }
0x2e: {  	[tilespmem:s19], [sflag:$0x1] =	stream.indirect.gather [hbm4b:s4+s18], $0x80, s26, s18, $0xb8;
	[tilespmem:$0x1E900] =	vst v63  }
0x2f: {  	s30 =	sadd.s32 $0x0, s11  }
0x30: {  	[tilespmem:s16], [sflag:$0x3] =	stream.linear.gather [hbm4b:s30+s3], $0x80, $0x38;
	[tilespmem:$0x1E900] =	vst v63  }
0x31: {  	_ =	swait.ge [sflag:s23], $0x4000  }
0x32: {  	[sflag:s23] =	ssyncset.done $0x0  }
0x33: {  	[sflag:s23] =	ssyncadd.s32 $0xFFFFC000  }
0x34: {  	_ =	swait.ge [sflag:s24], $0x80  }
0x35: {  	[sflag:s24] =	ssyncset.done $0x0  }
0x36: {  	[sflag:s24] =	ssyncadd.s32 $0xFFFFFF80  }
0x37: {  	[spmem:s2] =	stream.indirect.scatter.add.f32 [tilespmem:s20], [sflag:$0x5], $0x80, s17, s18, $0xb8;
	[tilespmem:$0x1E900] =	vst v63  }
0x38: {  	_ =	swait.ge [sflag:s13], $0x4000  }
0x39: {  	s31 =	simm.s32 $0x180;
	s29 =	sadd.s32 $0x0, s12;
	[sflag:s13] =	ssyncset.done $0x0  }
0x3a: {  	s28 =	simm.s32 $0x200;
	s26 =	simm.s32 $0x20;
	[sflag:s13] =	ssyncadd.s32 $0xFFFFC000  }
0x3b: {  	[tilespmem:s20], [sflag:$0x2] =	stream.indirect.gather [hbm4b:s4+s18], $0x80, s31, s18, $0xb8;
	[tilespmem:$0x1E900] =	vst v63  }
.LBB2_2:
0x3c: {  	[tilespmem:s17], [sflag:$0x4] =	stream.linear.gather [hbm4b:s29+s3], $0x80, $0x38;
	[tilespmem:$0x1E900] =	vst v63  }
0x3d: {  	s29 =	smov.u32 s26  }
0x3e: {  	p0 =	sne.s32 s26, $0x4C0;
	s26 =	sadd.s32 $0x20, s26;
	_ =	swait.ge [sflag:s21], $0x4000  }
0x3f: {  	[sflag:s21] =	ssyncset.done $0x0  }
0x40: {  	[sflag:s21] =	ssyncadd.s32 $0xFFFFC000  }
0x41: {  	_ =	swait.ge [sflag:s22], $0x80  }
0x42: {  	[sflag:s22] =	ssyncset.done $0x0  }
0x43: {  	[sflag:s22] =	ssyncadd.s32 $0xFFFFFF80  }
0x44: {  	[spmem:s2] =	stream.indirect.scatter.add.f32 [tilespmem:s19], [sflag:$0x5], $0x80, s16, s18, $0xb8;
	[tilespmem:$0x1E900] =	vst v63  }
0x45: {  	_ =	swait.ge [sflag:s13], $0x4000  }
0x46: {  	[sflag:s13] =	ssyncset.done $0x0  }
0x47: {  	[sflag:s13] =	ssyncadd.s32 $0xFFFFC000  }
0x48: {  	[tilespmem:s19], [sflag:$0x1] =	stream.indirect.gather [hbm4b:s4+s18], $0x80, s28, s18, $0xb8;
	[tilespmem:$0x1E900] =	vst v63  }
0x49: {  	s30 =	sadd.s32 s29, s11  }
0x4a: {  	[tilespmem:s16], [sflag:$0x3] =	stream.linear.gather [hbm4b:s30+s3], $0x80, $0x38;
	[tilespmem:$0x1E900] =	vst v63  }
0x4b: {  	_ =	swait.ge [sflag:s23], $0x4000  }
0x4c: {  	[sflag:s23] =	ssyncset.done $0x0  }
0x4d: {  	[sflag:s23] =	ssyncadd.s32 $0xFFFFC000  }
0x4e: {  	_ =	swait.ge [sflag:s24], $0x80  }
0x4f: {  	[sflag:s24] =	ssyncset.done $0x0  }
0x50: {  	[sflag:s24] =	ssyncadd.s32 $0xFFFFFF80  }
0x51: {  	[spmem:s2] =	stream.indirect.scatter.add.f32 [tilespmem:s20], [sflag:$0x5], $0x80, s17, s18, $0xb8;
	[tilespmem:$0x1E900] =	vst v63  }
.Ltmp0:
0x52: {  	_ =	swait.ge [sflag:s13], $0x4000;
	(pc) =	sbr.rel @p0 .LBB2_2-.Ltmp0, $4  }
0x53: {  	[sflag:s13] =	ssyncset.done $0x0  }
0x54: {  	s30 =	sadd.s32 $0x80, s28;
	[sflag:s13] =	ssyncadd.s32 $0xFFFFC000  }
0x55: {  	[tilespmem:s20], [sflag:$0x2] =	stream.indirect.gather [hbm4b:s4+s18], $0x80, s30, s18, $0xb8;
	[tilespmem:$0x1E900] =	vst v63  }
0x56: {  	s29 =	sadd.s32 s29, s12;
	s28 =	sadd.s32 $0x100, s28  }
0x57: {  	[tilespmem:s17], [sflag:$0x4] =	stream.linear.gather [hbm4b:s29+s3], $0x80, $0x38;
	[tilespmem:$0x1E900] =	vst v63  }
0x58: {  	_ =	swait.ge [sflag:s21], $0x4000  }
0x59: {  	[sflag:s21] =	ssyncset.done $0x0  }
0x5a: {  	[sflag:s21] =	ssyncadd.s32 $0xFFFFC000  }
0x5b: {  	_ =	swait.ge [sflag:s22], $0x80  }
0x5c: {  	[sflag:s22] =	ssyncset.done $0x0  }
0x5d: {  	[sflag:s22] =	ssyncadd.s32 $0xFFFFFF80  }
0x5e: {  	[spmem:s2] =	stream.indirect.scatter.add.f32 [tilespmem:s19], [sflag:$0x5], $0x80, s16, s18, $0xb8;
	[tilespmem:$0x1E900] =	vst v63  }
0x5f: {  	_ =	swait.ge [sflag:s13], $0x4000  }
0x60: {  	[sflag:s13] =	ssyncset.done $0x0  }
0x61: {  	[sflag:s13] =	ssyncadd.s32 $0xFFFFC000  }
0x62: {  	_ =	swait.ge [sflag:s23], $0x4000  }
0x63: {  	[sflag:s23] =	ssyncset.done $0x0  }
0x64: {  	[sflag:s23] =	ssyncadd.s32 $0xFFFFC000  }
0x65: {  	_ =	swait.ge [sflag:s24], $0x80  }
0x66: {  	[sflag:s24] =	ssyncset.done $0x0  }
0x67: {  	[sflag:s24] =	ssyncadd.s32 $0xFFFFFF80  }
0x68: {  	[spmem:s2] =	stream.indirect.scatter.add.f32 [tilespmem:s20], [sflag:$0x5], $0x80, s17, s18, $0xb8;
	[tilespmem:$0x1E900] =	vst v63  }
0x69: {  	_ =	swait.ge [sflag:s13], $0x4000  }
0x6a: {  	s25 =	sadd.s32 $0x1, s25;
	[sflag:s13] =	ssyncset.done $0x0  }
0x6b: {  	p0 =	sne.s32 s25, s10;
	[sflag:s13] =	ssyncadd.s32 $0xFFFFC000  }
.Ltmp1:
0x6c: {  	[bflag:$0x0] =	sbarrier.arrive $0xFFFF;
	(pc) =	sbr.rel @p0 .LBB2_1-.Ltmp1, $4  }
0x6d: {  	[hbm:s9], [sflag:s14] =	dma.local [spmem:s15], $0x2800  }
0x6e: {  	_ =	swait.ge [sflag:s13], $0x2800  }
0x6f: {  	[sflag:s13] =	ssyncset.done $0x0  }
0x70: {  	[sflag:s13] =	ssyncadd.s32 $0xFFFFD800  }
0x71: {  	_ =	sfence.sel $0x180000  }
0x72: {  	[bflag:$0x0] =	sbarrier.arrive $0xFFFF  }
0x73: {  	p0 =	sne.s32 s0, $0x0;
	_ =	strace $0x9000004A  }
0x74: {  	s0 =	sadd.s32 @!p0 $0x100000, s1;
	[bflag:$0x2] =	sbarrier.arrive $0xFFFF  }
0x75: {  	[sflag:s0] =	ssyncadd.tile.s32 @!p0 $0x1;
	_ =	shalt  }
.Lfunc_end2:
_tile_overlayer_lowered:
.L_overlay_start_2:
0x76: {  	(tag) =	ssettag $0x2  }
0x77: {  	s0 =	rddreg [dreg:$0x0];
	s2 =	stileid.u32  }
0x78: {  	s1 =	rddreg [dreg:$0x1];
	p0 =	sne.s32 s2, $0x0  }
0x79: {  	s3 =	rddreg [dreg:$0x2];
	[bflag:$0x3] =	sbarrier.arrive $0xFFFF;
	s2 =	simm.s32 @!p0 $0x1C05  }
0x7a: {  	[timem:s3], [sflag:s2] =	dma.local @!p0 [hbm:s0], s1  }
0x7b: {  	s0 =	simm.s32 @!p0 $0x5  }
0x7c: {  	_ =	swait.ge @!p0 [sflag:s0], s1  }
0x7d: {  	s1 =	ssub.s32 @!p0 $0x0, s1;
	[sflag:s0] =	ssyncset.done @!p0 $0x0  }
0x7e: {  	[sflag:s0] =	ssyncadd.s32 @!p0 s1  }
0x7f: {  	[bflag:$0x3] =	sbarrier.arrive $0xFFFF  }
0x80: {  	_ =	shalt  }

// kernel: kernel.14.cloned.1.call-start
scs
__scs_entry_jumppad:
0x0: {  	(pc) =	sbr.rel $0x88, $3  }
0x1: {  	(tag) =	ssettag $0x0;
	lr =	simm.s32 $0x1  }
0x2: {  	[smem:$0x3F98] =	sst lr;
	_ =	strace $0xD0000000  }
0x3: {  	_ = 	snop  }
0x4: {  	_ = 	snop  }
0x5: {  	_ = 	snop  }
0x6: {  	_ = 	snop  }
0x7: {  	_ = 	snop  }
__scs_overlays_trampoline_lowered:
0x8: {  	[smem:$0x3FA7] =	sst s0  }
0x9: {  	[smem:$0x3FA8] =	sst s1  }
0xa: {  	[smem:$0x3FA9] =	sst s2  }
0xb: {  	[smem:$0x3FAA] =	sst s3  }
0xc: {  	[smem:$0x3FAB] =	sst s4  }
0xd: {  	[smem:$0x3FAC] =	sst s5  }
0xe: {  	[smem:$0x3FAD] =	sst s6  }
0xf: {  	[smem:$0x3FAE] =	sst s7  }
0x10: {  	[smem:$0x3FAF] =	sst s8  }
0x11: {  	[smem:$0x3FB0] =	sst s9;
	s0 =	simm.s32 @!p0 $0x0  }
0x12: {  	s1 =	sld [smem:$0x3F96];
	s0 =	simm.s32 @p0 $0x1  }
0x13: {  	[smem:$0x3FB1] =	sst s0;
	s0 =	simm.s32 @!p1 $0x0  }
0x14: {  	s2 =	sld [smem:$0x3F95];
	s0 =	simm.s32 @p1 $0x1  }
0x15: {  	[smem:$0x3FB2] =	sst s0;
	s0 =	simm.s32 @!p2 $0x0  }
0x16: {  	s3 =	sld [smem:$0x3FDB];
	s0 =	simm.s32 @p2 $0x1  }
0x17: {  	s4 =	simm.s32 $0x1BF5;
	[smem:$0x3FB4] =	sst s0  }
0x18: {  	s0 =	sld [smem:$0x3F97];
	_ =	swait.ge [sflag:s4], $0x0  }
0x19: {  	s7 =	sld [smem:$0x3F98]  }
0x1a: {  	s8 =	sadd.s32 $0xFFFFE003, lr  }
0x1b: {  	s9 =	sadd.s32 $0xFFFFFEF7, lr;
	s5 =	simm.s32 $0xFFFFFFFF;
	p2 =	slt.u32 s8, $0xFFFFF086  }
0x1c: {  	p1 =	slt.u32 s9, $0xF7A;
	s5 =	simm.s32 @!p2 $0x0  }
0x1d: {  	s5 =	simm.s32 @p1 $0x1;
	p0 =	seq.s32 s7, s2  }
0x1e: {  	s7 =	smul.u32 @!p0 $0xF7A, s2;
	p2 =	seq.s32 @!p0 s5, $0x0  }
0x1f: {  	s9 =	smul.u32 $0xF7A, s1;
	s8 =	simm.s32 @!p0 $0x1BF5;
	p2 =	por !p2, p0  }
0x20: {  	[sflag:s8] =	ssyncset.s32 @!p0 $0xFFFFF086;
	s6 =	sadd.s32 @!p0 s3, s7;
	s7 =	simm.s32 @!p0 $0x108  }
0x21: {  	s3 =	sadd.s32 s3, s9;
	s6 =	sadd.s32 @!p0 $0x88, s6;
	s7 =	simm.s32 @p2 $0x1082  }
0x22: {  	[simem:s7], [sflag:s8] =	dma.local @!p0 [hbm:s6], $0xF7A  }
0x23: {  	s9 =	sor.u32 $0xD0000000, s2;
	s6 =	simm.s32 $0x108;
	_ =	swait.ge @!p0 [sflag:s8], $0x0  }
0x24: {  	s3 =	sadd.s32 $0x88, s3;
	s6 =	simm.s32 @!p1 $0x1082;
	[sflag:s4] =	ssyncset.s32 $0xFFFFF086  }
0x25: {  	[simem:s6], [sflag:s4] =	dma.local [hbm:s3], $0xF7A  }
0x26: {  	[smem:$0x3F98] =	sst s1;
	(tag) =	ssettag s2;
	_ =	strace s9  }
0x27: {  	s1 =	sld [smem:$0x3FA8]  }
0x28: {  	s2 =	sld [smem:$0x3FA9]  }
0x29: {  	s4 =	sld [smem:$0x3FAB]  }
0x2a: {  	p0 =	seq.s32 s5, $0x0;
	s5 =	sld [smem:$0x3FAC]  }
0x2b: {  	s6 =	sld [smem:$0x3FAD]  }
0x2c: {  	s7 =	sld [smem:$0x3FAE]  }
0x2d: {  	s3 =	simm.s32 $0x108;
	s8 =	sld [smem:$0x3FAF]  }
0x2e: {  	s3 =	simm.s32 @!p0 $0x1082;
	s9 =	sld [smem:$0x3FB0]  }
0x2f: {  	lr =	sadd.s32 s0, s3;
	s0 =	sld [smem:$0x3FA7]  }
0x30: {  	s3 =	sld [smem:$0x3FAA]  }
0x31: {  	[smem:$0x3FB3] =	sst s10  }
0x32: {  	s10 =	sld [smem:$0x3FB1];
	_ =	sdelay $0x3  }
0x33: {  	p0 =	seq.s32 s10, $0x1;
	s10 =	sld [smem:$0x3FB3];
	_ =	sdelay $0x3  }
0x34: {  	[smem:$0x3FB3] =	sst s10  }
0x35: {  	s10 =	sld [smem:$0x3FB2];
	_ =	sdelay $0x3  }
0x36: {  	p1 =	seq.s32 s10, $0x1;
	s10 =	sld [smem:$0x3FB3];
	_ =	sdelay $0x3  }
0x37: {  	[smem:$0x3FB3] =	sst s10  }
0x38: {  	s10 =	sld [smem:$0x3FB4]  }
0x39: {  	_ = 	snop;
	(pc) =	sbr.ind lr, $3  }
0x3a: {  	_ = 	snop  }
0x3b: {  	_ = 	snop  }
0x3c: {  	p2 =	seq.s32 s10, $0x1;
	s10 =	sld [smem:$0x3FB3]  }
0x3d: {  	_ =	shalt  }
0x3e: {  	_ =	shalt  }
0x3f: {  	_ =	shalt  }
0x40: {  	_ =	shalt  }
0x41: {  	_ =	shalt  }
0x42: {  	_ =	shalt  }
0x43: {  	_ =	shalt  }
0x44: {  	_ =	shalt  }
0x45: {  	_ =	shalt  }
0x46: {  	_ =	shalt  }
0x47: {  	_ =	shalt  }
0x48: {  	_ =	shalt  }
0x49: {  	_ =	shalt  }
0x4a: {  	_ =	shalt  }
0x4b: {  	_ =	shalt  }
0x4c: {  	_ =	shalt  }
0x4d: {  	_ =	shalt  }
0x4e: {  	_ =	shalt  }
0x4f: {  	_ =	shalt  }
0x50: {  	_ =	shalt  }
0x51: {  	_ =	shalt  }
0x52: {  	_ =	shalt  }
0x53: {  	_ =	shalt  }
0x54: {  	_ =	shalt  }
0x55: {  	_ =	shalt  }
0x56: {  	_ =	shalt  }
0x57: {  	_ =	shalt  }
0x58: {  	_ =	shalt  }
0x59: {  	_ =	shalt  }
0x5a: {  	_ =	shalt  }
0x5b: {  	_ =	shalt  }
0x5c: {  	_ =	shalt  }
0x5d: {  	_ =	shalt  }
0x5e: {  	_ =	shalt  }
0x5f: {  	_ =	shalt  }
0x60: {  	_ =	shalt  }
0x61: {  	_ =	shalt  }
0x62: {  	_ =	shalt  }
0x63: {  	_ =	shalt  }
0x64: {  	_ =	shalt  }
0x65: {  	_ =	shalt  }
0x66: {  	_ =	shalt  }
0x67: {  	_ =	shalt  }
0x68: {  	_ =	shalt  }
0x69: {  	_ =	shalt  }
0x6a: {  	_ =	shalt  }
0x6b: {  	_ =	shalt  }
0x6c: {  	_ =	shalt  }
0x6d: {  	_ =	shalt  }
0x6e: {  	_ =	shalt  }
0x6f: {  	_ =	shalt  }
0x70: {  	_ =	shalt  }
0x71: {  	_ =	shalt  }
0x72: {  	_ =	shalt  }
0x73: {  	_ =	shalt  }
0x74: {  	_ =	shalt  }
0x75: {  	_ =	shalt  }
0x76: {  	_ =	shalt  }
0x77: {  	_ =	shalt  }
0x78: {  	_ =	shalt  }
0x79: {  	_ =	shalt  }
0x7a: {  	_ =	shalt  }
0x7b: {  	_ =	shalt  }
0x7c: {  	_ =	shalt  }
0x7d: {  	_ =	shalt  }
0x7e: {  	_ =	shalt  }
0x7f: {  	_ =	shalt  }
0x80: {  	_ =	shalt  }
0x81: {  	_ =	shalt  }
0x82: {  	_ =	shalt  }
0x83: {  	_ =	shalt  }
0x84: {  	_ =	shalt  }
0x85: {  	_ =	shalt  }
0x86: {  	_ =	shalt  }
0x87: {  	_ =	shalt  }
.Lfunc_end0:
.L_simem_size_0:
called_computation.2_lowered:
.L_overlay_start_0:
0x88: {  	s2 =	sld [smem:$0x3FD9]  }
0x89: {  	s3 =	sld [smem:$0x3FFE];
	_ =	sdelay $0x1  }
0x8a: {  	s1 =	srdreg.scid  }
0x8b: {  	s0 =	sand.u32 $0x1, s1  }
0x8c: {  	s17 =	sshll.u32 s0, $0xA;
	s2 =	sadd.s32 s3, s2  }
0x8d: {  	s2 =	sadd.s32 s2, s17  }
0x8e: {  	[smem:$0x3FBF] =	sst s2  }
0x8f: {  	_ = 	snop  }
0x90: {  	s2 =	sld [smem:$0x3FD0];
	(tm) =	ssettm $0x1  }
0x91: {  	s18 =	sld [smem:$0x3FFB];
	_ =	sdelay $0x3  }
0x92: {  	_ =	strace s18  }
0x93: {  	s3 =	sld [smem:$0x3FFC];
	_ =	sdelay $0x3  }
0x94: {  	_ =	strace s3  }
0x95: {  	s3 =	sld [smem:$0x3FFD];
	_ =	sdelay $0x3  }
0x96: {  	_ =	strace s3  }
0x97: {  	_ =	strace $0x8FFFFFFF  }
0x98: {  	s19 =	sld [smem:$0x3FDB];
	_ =	sdelay $0x1  }
0x99: {  	s4 =	simm.s32 $_scs_section_size  }
0x9a: {  	s5 =	simm.s32 $_size__tile_overlayer_lowered;
	s6 =	simm.s32 $_tile_overlayer_lowered  }
0x9b: {  	s22 =	simm.s32 $0x1BFF;
	s21 =	sshll.u32 s6, $0x1;
	s3 =	sadd.s32 s4, s19  }
0x9c: {  	s7 =	simm.s32 $0x0;
	s20 =	sshll.u32 s5, $0x1;
	s5 =	sadd.s32 s21, s3  }
0x9d: {  	[timem:s7], [sflag:s22] =	dma.local [hbm:s5], s20  }
0x9e: {  	_ =	swait.ge [sflag:s22], s20  }
0x9f: {  	s4 =	ssub.s32 $0x0, s20;
	[sflag:s22] =	ssyncset.done $0x0  }
0xa0: {  	[sflag:s22] =	ssyncadd.s32 s4;
	_ =	sdelay $0x1  }
0xa1: {  	s23 =	simm.s32 $0x1B8B  }
0xa2: {  	_ =	swait.ge [sflag:s23], $0x1  }
0xa3: {  	[sflag:s23] =	ssyncset.done $0x0  }
0xa4: {  	s25 =	simm.s32 $0x1B8E;
	s24 =	sld [smem:$0x3FFE];
	[sflag:s23] =	ssyncadd.s32 $0xFFFFFFFF  }
0xa5: {  	s26 =	simm.s32 $execute0_lowered;
	[smem:$0x3FD2] =	sst s25  }
0xa6: {  	s5 =	sshll.u32 s26, $0x1;
	_ =	strace $0x8000004C;
	[dreg:$0x1] =	wrdreg $0xFFFFFFFF  }
0xa7: {  	s28 =	simm.s32 $_size_execute0_lowered;
	s3 =	sadd.s32 s3, s5;
	[dreg:$0x0] =	wrdreg $0x0  }
0xa8: {  	s5 =	sshll.u32 s28, $0x1;
	[dreg:$0x2] =	wrdreg s3  }
0xa9: {  	[dreg:$0x3] =	wrdreg s5  }
0xaa: {  	[dreg:$0x4] =	wrdreg $0xC0  }
0xab: {  	_ =	task [dreg:s7], $0x5FFFF  }
0xac: {  	[dreg:$0x1] =	wrdreg $0xFFFFFFFF  }
0xad: {  	[dreg:$0x0] =	wrdreg $0x60  }
0xae: {  	[dreg:$0x2] =	wrdreg s24  }
0xaf: {  	[dreg:$0x3] =	wrdreg s2  }
0xb0: {  	[dreg:$0x4] =	wrdreg $0x69000  }
0xb1: {  	[dreg:$0x5] =	wrdreg $0x9  }
0xb2: {  	_ =	task.clear_ibuf [dreg:s7], $0x6FFFF;
	_ =	strace $0x9000004C  }
0xb3: {  	s29 =	simm.s32 $0x9;
	_ =	strace $0x8000004E  }
0xb4: {  	_ =	swait.ge [sflag:s29], $0x1  }
0xb5: {  	[sflag:s29] =	ssyncadd.s32 $0xFFFFFFFF  }
0xb6: {  	_ =	strace $0x9000004E  }
0xb7: {  	_ =	sfence  }
0xb8: {  	s30 =	sld [smem:$0x0];
	_ =	sdelay $0x2  }
0xb9: {  	s31 =	sshll.u32 s1, $0xD;
	s1 =	sshrl.u32 s1, $0x2  }
0xba: {  	s3 =	sand.u32 $0x4000, s31;
	s1 =	sadd.s32 s1, s30  }
0xbb: {  	s0 =	sor.u32 s3, s0;
	s1 =	sshll.u32 s1, $0x11  }
0xbc: {  	s0 =	sor.u32 s1, s0  }
0xbd: {  	s0 =	sadd.s32 $0x8F2B, s0  }
0xbe: {  	[sflag:s0] =	ssyncadd.remote.s32 $0x1  }
0xbf: {  	_ =	sfence.sel $0xFFFF  }
0xc0: {  	[dreg:$0x0] =	wrdreg $0xFFFFFFFF;
	(pc) =	sbr.abs _section_cstart, $3  }
0xc1: {  	[dreg:$0x1] =	wrdreg $0xFFFFFFFF  }
0xc2: {  	_ =	task.clear_ibuf [dreg:s7], $0x2FFFF;
	_ =	strace $0x9FFFFFFF  }
0xc3: {  	(tm) =	ssettm $0x7FFFFFFF  }
tec
execute0_lowered:
.L_overlay_start_1:
0x0: {  	(tag) =	ssettag $0x1  }
0x1: {  	s6 =	rddreg [dreg:$0x0]  }
0x2: {  	s7 =	rddreg [dreg:$0x1]  }
0x3: {  	s1 =	rddreg [dreg:$0x2]  }
0x4: {  	s0 =	rddreg [dreg:$0x3];
	s3 =	simm.s32 $0x0;
	s4 =	srdreg.scid  }
0x5: {  	s2 =	stileid.u32;
	s17 =	simm.s32 $0x2880;
	s18 =	simm.s32 $0x80  }
0x6: {  	s19 =	simm.s32 $0x2900;
	s20 =	simm.s32 $0x4900;
	s21 =	simm.s32 $0x1  }
0x7: {  	s22 =	simm.s32 $0x3;
	s23 =	simm.s32 $0x2;
	s24 =	simm.s32 $0x4  }
0x8: {  	s25 =	simm.s32 $0x0;
	[smem:$0x7FF] =	sst s3;
	s8 =	sand.u32 $0x1, s4  }
0x9: {  	s9 =	smul.u32 $0xA000, s2;
	s5 =	sshll.u32 s2, $0x1;
	s4 =	sadd.s32 $0x1800, s6  }
0xa: {  	s12 =	sadd.s32 $0x15800, s6;
	s14 =	smul.u32 $0x5000, s2;
	s31 =	sshll.u32 s2, $0x6  }
0xb: {  	_ =	strace $0x8000004D;
	s10 =	smul.u32 $0xA0000, s8;
	s11 =	sor.u32 s8, s5  }
0xc: {  	s5 =	sadd.s32 $0x1F800, s6;
	s13 =	ssub.s32 $0x2, s8;
	s8 =	smul.u32 $0x2800, s8  }
0xd: {  	s11 =	smul.u32 $0x2800, s11;
	s15 =	sshrl.u32 s13, $0x1;
	s29 =	sadd.s32 s9, s1  }
0xe: {  	s10 =	sadd.s32 s9, s10;
	s13 =	ssub.s32 s13, s15;
	s28 =	sadd.s32 s8, s14  }
0xf: {  	s15 =	sshrl.u32 s29, $0x3;
	s10 =	sshrl.u32 s10, $0x3;
	s11 =	sshrl.u32 s11, $0x3  }
0x10: {  	s14 =	sor.u32 $0x100, s28;
	s16 =	sor.u32 $0x180, s28;
	s10 =	sadd.s32 s10, s6  }
0x11: {  	s6 =	sadd.s32 s7, s11;
	s7 =	sadd.s32 s12, s11;
	s14 =	sshrl.u32 s14, $0x3  }
0x12: {  	s30 =	sshrl.u32 s16, $0x3;
	s16 =	simm.s32 $0x2800;
	s8 =	sadd.s32 $0x10, s7  }
0x13: {  	s9 =	sadd.s32 $0x20C00, s10;
	s10 =	smax.u32 s13, $0x1;
	s11 =	sadd.s32 s14, s12  }
0x14: {  	s12 =	sadd.s32 s30, s12;
	s13 =	simm.s32 $0x5;
	s14 =	sor.u32 $0x1C05, s31  }
.LBB2_1:
0x15: {  	[tilespmem:s3], [sflag:$0x5] =	stream.linear.gather [hbm4b:s6+s3], $0x2800, $0x38;
	[tilespmem:$0x10900] =	vst v63  }
0x16: {  	_ =	swait.ge [sflag:s13], $0x2800  }
0x17: {  	[sflag:s13] =	ssyncset.done $0x0  }
0x18: {  	[sflag:s13] =	ssyncadd.s32 $0xFFFFD800  }
0x19: {  	[spmem:s15], [sflag:s14] =	dma.local [hbm:s5], $0x1400  }
0x1a: {  	_ =	swait.ge [sflag:s13], $0x1400  }
0x1b: {  	[sflag:s13] =	ssyncset.done $0x0  }
0x1c: {  	[sflag:s13] =	ssyncadd.s32 $0xFFFFEC00  }
0x1d: {  	[bflag:$0x0] =	sbarrier.arrive $0xFFFF  }
0x1e: {  	[tilespmem:s16], [sflag:$0x3] =	stream.linear.gather [hbm4b:s7+s3], $0x80, $0x38;
	[tilespmem:$0x10900] =	vst v63  }
0x1f: {  	_ = 	snop  }
0x20: {  	[tilespmem:s17], [sflag:$0x4] =	stream.linear.gather [hbm4b:s8+s3], $0x80, $0x38;
	[tilespmem:$0x10900] =	vst v63  }
0x21: {  	_ = 	snop  }
0x22: {  	[tilespmem:s19], [sflag:$0x1] =	stream.indirect.gather [hbm4b:s4+s18], $0x40, s3, s18, $0xb8;
	[tilespmem:$0x10900] =	vst v63  }
0x23: {  	_ = 	snop  }
0x24: {  	[tilespmem:s20], [sflag:$0x2] =	stream.indirect.gather [hbm4b:s4+s18], $0x40, s18, s18, $0xb8;
	[tilespmem:$0x10900] =	vst v63  }
0x25: {  	_ =	swait.ge [sflag:s21], $0x2000  }
0x26: {  	[sflag:s21] =	ssyncset.done $0x0  }
0x27: {  	[sflag:s21] =	ssyncadd.s32 $0xFFFFE000  }
0x28: {  	_ =	swait.ge [sflag:s22], $0x80  }
0x29: {  	[sflag:s22] =	ssyncset.done $0x0  }
0x2a: {  	[sflag:s22] =	ssyncadd.s32 $0xFFFFFF80  }
0x2b: {  	[spmem:s1] =	stream.indirect.scatter.add.f32 [tilespmem:s19], [sflag:$0x5], $0x40, s16, s18, $0xb8;
	[tilespmem:$0x10900] =	vst v63  }
0x2c: {  	_ =	swait.ge [sflag:s13], $0x2000  }
0x2d: {  	[sflag:s13] =	ssyncset.done $0x0  }
0x2e: {  	s26 =	simm.s32 $0x100;
	[sflag:s13] =	ssyncadd.s32 $0xFFFFE000  }
0x2f: {  	[tilespmem:s19], [sflag:$0x1] =	stream.indirect.gather [hbm4b:s4+s18], $0x40, s26, s18, $0xb8;
	[tilespmem:$0x10900] =	vst v63  }
0x30: {  	s30 =	sadd.s32 $0x0, s11  }
0x31: {  	[tilespmem:s16], [sflag:$0x3] =	stream.linear.gather [hbm4b:s30+s3], $0x80, $0x38;
	[tilespmem:$0x10900] =	vst v63  }
0x32: {  	_ =	swait.ge [sflag:s23], $0x2000  }
0x33: {  	[sflag:s23] =	ssyncset.done $0x0  }
0x34: {  	[sflag:s23] =	ssyncadd.s32 $0xFFFFE000  }
0x35: {  	_ =	swait.ge [sflag:s24], $0x80  }
0x36: {  	[sflag:s24] =	ssyncset.done $0x0  }
0x37: {  	[sflag:s24] =	ssyncadd.s32 $0xFFFFFF80  }
0x38: {  	[spmem:s1] =	stream.indirect.scatter.add.f32 [tilespmem:s20], [sflag:$0x5], $0x40, s17, s18, $0xb8;
	[tilespmem:$0x10900] =	vst v63  }
0x39: {  	_ =	swait.ge [sflag:s13], $0x2000  }
0x3a: {  	s31 =	simm.s32 $0x180;
	s29 =	sadd.s32 $0x0, s12;
	[sflag:s13] =	ssyncset.done $0x0  }
0x3b: {  	s28 =	simm.s32 $0x200;
	s26 =	simm.s32 $0x20;
	[sflag:s13] =	ssyncadd.s32 $0xFFFFE000  }
0x3c: {  	[tilespmem:s20], [sflag:$0x2] =	stream.indirect.gather [hbm4b:s4+s18], $0x40, s31, s18, $0xb8;
	[tilespmem:$0x10900] =	vst v63  }
.LBB2_2:
0x3d: {  	[tilespmem:s17], [sflag:$0x4] =	stream.linear.gather [hbm4b:s29+s3], $0x80, $0x38;
	[tilespmem:$0x10900] =	vst v63  }
0x3e: {  	s29 =	smov.u32 s26  }
0x3f: {  	p0 =	sne.s32 s26, $0x4C0;
	s26 =	sadd.s32 $0x20, s26;
	_ =	swait.ge [sflag:s21], $0x2000  }
0x40: {  	[sflag:s21] =	ssyncset.done $0x0  }
0x41: {  	[sflag:s21] =	ssyncadd.s32 $0xFFFFE000  }
0x42: {  	_ =	swait.ge [sflag:s22], $0x80  }
0x43: {  	[sflag:s22] =	ssyncset.done $0x0  }
0x44: {  	[sflag:s22] =	ssyncadd.s32 $0xFFFFFF80  }
0x45: {  	[spmem:s1] =	stream.indirect.scatter.add.f32 [tilespmem:s19], [sflag:$0x5], $0x40, s16, s18, $0xb8;
	[tilespmem:$0x10900] =	vst v63  }
0x46: {  	_ =	swait.ge [sflag:s13], $0x2000  }
0x47: {  	[sflag:s13] =	ssyncset.done $0x0  }
0x48: {  	[sflag:s13] =	ssyncadd.s32 $0xFFFFE000  }
0x49: {  	[tilespmem:s19], [sflag:$0x1] =	stream.indirect.gather [hbm4b:s4+s18], $0x40, s28, s18, $0xb8;
	[tilespmem:$0x10900] =	vst v63  }
0x4a: {  	s30 =	sadd.s32 s29, s11  }
0x4b: {  	[tilespmem:s16], [sflag:$0x3] =	stream.linear.gather [hbm4b:s30+s3], $0x80, $0x38;
	[tilespmem:$0x10900] =	vst v63  }
0x4c: {  	_ =	swait.ge [sflag:s23], $0x2000  }
0x4d: {  	[sflag:s23] =	ssyncset.done $0x0  }
0x4e: {  	[sflag:s23] =	ssyncadd.s32 $0xFFFFE000  }
0x4f: {  	_ =	swait.ge [sflag:s24], $0x80  }
0x50: {  	[sflag:s24] =	ssyncset.done $0x0  }
0x51: {  	[sflag:s24] =	ssyncadd.s32 $0xFFFFFF80  }
0x52: {  	[spmem:s1] =	stream.indirect.scatter.add.f32 [tilespmem:s20], [sflag:$0x5], $0x40, s17, s18, $0xb8;
	[tilespmem:$0x10900] =	vst v63  }
.Ltmp0:
0x53: {  	_ =	swait.ge [sflag:s13], $0x2000;
	(pc) =	sbr.rel @p0 .LBB2_2-.Ltmp0, $4  }
0x54: {  	[sflag:s13] =	ssyncset.done $0x0  }
0x55: {  	s30 =	sadd.s32 $0x80, s28;
	[sflag:s13] =	ssyncadd.s32 $0xFFFFE000  }
0x56: {  	[tilespmem:s20], [sflag:$0x2] =	stream.indirect.gather [hbm4b:s4+s18], $0x40, s30, s18, $0xb8;
	[tilespmem:$0x10900] =	vst v63  }
0x57: {  	s29 =	sadd.s32 s29, s12;
	s28 =	sadd.s32 $0x100, s28  }
0x58: {  	[tilespmem:s17], [sflag:$0x4] =	stream.linear.gather [hbm4b:s29+s3], $0x80, $0x38;
	[tilespmem:$0x10900] =	vst v63  }
0x59: {  	_ =	swait.ge [sflag:s21], $0x2000  }
0x5a: {  	[sflag:s21] =	ssyncset.done $0x0  }
0x5b: {  	[sflag:s21] =	ssyncadd.s32 $0xFFFFE000  }
0x5c: {  	_ =	swait.ge [sflag:s22], $0x80  }
0x5d: {  	[sflag:s22] =	ssyncset.done $0x0  }
0x5e: {  	[sflag:s22] =	ssyncadd.s32 $0xFFFFFF80  }
0x5f: {  	[spmem:s1] =	stream.indirect.scatter.add.f32 [tilespmem:s19], [sflag:$0x5], $0x40, s16, s18, $0xb8;
	[tilespmem:$0x10900] =	vst v63  }
0x60: {  	_ =	swait.ge [sflag:s13], $0x2000  }
0x61: {  	[sflag:s13] =	ssyncset.done $0x0  }
0x62: {  	[sflag:s13] =	ssyncadd.s32 $0xFFFFE000  }
0x63: {  	_ =	swait.ge [sflag:s23], $0x2000  }
0x64: {  	[sflag:s23] =	ssyncset.done $0x0  }
0x65: {  	[sflag:s23] =	ssyncadd.s32 $0xFFFFE000  }
0x66: {  	_ =	swait.ge [sflag:s24], $0x80  }
0x67: {  	[sflag:s24] =	ssyncset.done $0x0  }
0x68: {  	[sflag:s24] =	ssyncadd.s32 $0xFFFFFF80  }
0x69: {  	[spmem:s1] =	stream.indirect.scatter.add.f32 [tilespmem:s20], [sflag:$0x5], $0x40, s17, s18, $0xb8;
	[tilespmem:$0x10900] =	vst v63  }
0x6a: {  	_ =	swait.ge [sflag:s13], $0x2000  }
0x6b: {  	s25 =	sadd.s32 $0x1, s25;
	[sflag:s13] =	ssyncset.done $0x0  }
0x6c: {  	p0 =	sne.s32 s25, s10;
	[sflag:s13] =	ssyncadd.s32 $0xFFFFE000  }
.Ltmp1:
0x6d: {  	[bflag:$0x0] =	sbarrier.arrive $0xFFFF;
	(pc) =	sbr.rel @p0 .LBB2_1-.Ltmp1, $4  }
0x6e: {  	[hbm:s9], [sflag:s14] =	dma.local [spmem:s15], $0x1400  }
0x6f: {  	_ =	swait.ge [sflag:s13], $0x1400  }
0x70: {  	[sflag:s13] =	ssyncset.done $0x0  }
0x71: {  	[sflag:s13] =	ssyncadd.s32 $0xFFFFEC00  }
0x72: {  	_ =	sfence.sel $0x180000  }
0x73: {  	[bflag:$0x0] =	sbarrier.arrive $0xFFFF  }
0x74: {  	p0 =	sne.s32 s2, $0x0;
	_ =	strace $0x9000004D  }
0x75: {  	s0 =	sadd.s32 @!p0 $0x100000, s0;
	[bflag:$0x2] =	sbarrier.arrive $0xFFFF  }
0x76: {  	[sflag:s0] =	ssyncadd.tile.s32 @!p0 $0x1;
	_ =	shalt  }
.Lfunc_end2:
_tile_overlayer_lowered:
.L_overlay_start_2:
0x77: {  	(tag) =	ssettag $0x2  }
0x78: {  	s0 =	rddreg [dreg:$0x0];
	s2 =	stileid.u32  }
0x79: {  	s1 =	rddreg [dreg:$0x1];
	p0 =	sne.s32 s2, $0x0  }
0x7a: {  	s3 =	rddreg [dreg:$0x2];
	[bflag:$0x3] =	sbarrier.arrive $0xFFFF;
	s2 =	simm.s32 @!p0 $0x1C05  }
0x7b: {  	[timem:s3], [sflag:s2] =	dma.local @!p0 [hbm:s0], s1  }
0x7c: {  	s0 =	simm.s32 @!p0 $0x5  }
0x7d: {  	_ =	swait.ge @!p0 [sflag:s0], s1  }
0x7e: {  	s1 =	ssub.s32 @!p0 $0x0, s1;
	[sflag:s0] =	ssyncset.done @!p0 $0x0  }
0x7f: {  	[sflag:s0] =	ssyncadd.s32 @!p0 s1  }
0x80: {  	[bflag:$0x3] =	sbarrier.arrive $0xFFFF  }
0x81: {  	_ =	shalt  }

// kernel: kernel.8.cloned.1.call-start
scs
__scs_entry_jumppad:
0x0: {  	(pc) =	sbr.rel $0x88, $3  }
0x1: {  	(tag) =	ssettag $0x0;
	lr =	simm.s32 $0x1  }
0x2: {  	[smem:$0x3F98] =	sst lr;
	_ =	strace $0xD0000000  }
0x3: {  	_ = 	snop  }
0x4: {  	_ = 	snop  }
0x5: {  	_ = 	snop  }
0x6: {  	_ = 	snop  }
0x7: {  	_ = 	snop  }
__scs_overlays_trampoline_lowered:
0x8: {  	[smem:$0x3FA7] =	sst s0  }
0x9: {  	[smem:$0x3FA8] =	sst s1  }
0xa: {  	[smem:$0x3FA9] =	sst s2  }
0xb: {  	[smem:$0x3FAA] =	sst s3  }
0xc: {  	[smem:$0x3FAB] =	sst s4  }
0xd: {  	[smem:$0x3FAC] =	sst s5  }
0xe: {  	[smem:$0x3FAD] =	sst s6  }
0xf: {  	[smem:$0x3FAE] =	sst s7  }
0x10: {  	[smem:$0x3FAF] =	sst s8  }
0x11: {  	[smem:$0x3FB0] =	sst s9;
	s0 =	simm.s32 @!p0 $0x0  }
0x12: {  	s1 =	sld [smem:$0x3F96];
	s0 =	simm.s32 @p0 $0x1  }
0x13: {  	[smem:$0x3FB1] =	sst s0;
	s0 =	simm.s32 @!p1 $0x0  }
0x14: {  	s2 =	sld [smem:$0x3F95];
	s0 =	simm.s32 @p1 $0x1  }
0x15: {  	[smem:$0x3FB2] =	sst s0;
	s0 =	simm.s32 @!p2 $0x0  }
0x16: {  	s3 =	sld [smem:$0x3FDB];
	s0 =	simm.s32 @p2 $0x1  }
0x17: {  	s4 =	simm.s32 $0x1BF5;
	[smem:$0x3FB4] =	sst s0  }
0x18: {  	s0 =	sld [smem:$0x3F97];
	_ =	swait.ge [sflag:s4], $0x0  }
0x19: {  	s7 =	sld [smem:$0x3F98]  }
0x1a: {  	s8 =	sadd.s32 $0xFFFFE003, lr  }
0x1b: {  	s9 =	sadd.s32 $0xFFFFFEF7, lr;
	s5 =	simm.s32 $0xFFFFFFFF;
	p2 =	slt.u32 s8, $0xFFFFF086  }
0x1c: {  	p1 =	slt.u32 s9, $0xF7A;
	s5 =	simm.s32 @!p2 $0x0  }
0x1d: {  	s5 =	simm.s32 @p1 $0x1;
	p0 =	seq.s32 s7, s2  }
0x1e: {  	s7 =	smul.u32 @!p0 $0xF7A, s2;
	p2 =	seq.s32 @!p0 s5, $0x0  }
0x1f: {  	s9 =	smul.u32 $0xF7A, s1;
	s8 =	simm.s32 @!p0 $0x1BF5;
	p2 =	por !p2, p0  }
0x20: {  	[sflag:s8] =	ssyncset.s32 @!p0 $0xFFFFF086;
	s6 =	sadd.s32 @!p0 s3, s7;
	s7 =	simm.s32 @!p0 $0x108  }
0x21: {  	s3 =	sadd.s32 s3, s9;
	s6 =	sadd.s32 @!p0 $0x88, s6;
	s7 =	simm.s32 @p2 $0x1082  }
0x22: {  	[simem:s7], [sflag:s8] =	dma.local @!p0 [hbm:s6], $0xF7A  }
0x23: {  	s9 =	sor.u32 $0xD0000000, s2;
	s6 =	simm.s32 $0x108;
	_ =	swait.ge @!p0 [sflag:s8], $0x0  }
0x24: {  	s3 =	sadd.s32 $0x88, s3;
	s6 =	simm.s32 @!p1 $0x1082;
	[sflag:s4] =	ssyncset.s32 $0xFFFFF086  }
0x25: {  	[simem:s6], [sflag:s4] =	dma.local [hbm:s3], $0xF7A  }
0x26: {  	[smem:$0x3F98] =	sst s1;
	(tag) =	ssettag s2;
	_ =	strace s9  }
0x27: {  	s1 =	sld [smem:$0x3FA8]  }
0x28: {  	s2 =	sld [smem:$0x3FA9]  }
0x29: {  	s4 =	sld [smem:$0x3FAB]  }
0x2a: {  	p0 =	seq.s32 s5, $0x0;
	s5 =	sld [smem:$0x3FAC]  }
0x2b: {  	s6 =	sld [smem:$0x3FAD]  }
0x2c: {  	s7 =	sld [smem:$0x3FAE]  }
0x2d: {  	s3 =	simm.s32 $0x108;
	s8 =	sld [smem:$0x3FAF]  }
0x2e: {  	s3 =	simm.s32 @!p0 $0x1082;
	s9 =	sld [smem:$0x3FB0]  }
0x2f: {  	lr =	sadd.s32 s0, s3;
	s0 =	sld [smem:$0x3FA7]  }
0x30: {  	s3 =	sld [smem:$0x3FAA]  }
0x31: {  	[smem:$0x3FB3] =	sst s10  }
0x32: {  	s10 =	sld [smem:$0x3FB1];
	_ =	sdelay $0x3  }
0x33: {  	p0 =	seq.s32 s10, $0x1;
	s10 =	sld [smem:$0x3FB3];
	_ =	sdelay $0x3  }
0x34: {  	[smem:$0x3FB3] =	sst s10  }
0x35: {  	s10 =	sld [smem:$0x3FB2];
	_ =	sdelay $0x3  }
0x36: {  	p1 =	seq.s32 s10, $0x1;
	s10 =	sld [smem:$0x3FB3];
	_ =	sdelay $0x3  }
0x37: {  	[smem:$0x3FB3] =	sst s10  }
0x38: {  	s10 =	sld [smem:$0x3FB4]  }
0x39: {  	_ = 	snop;
	(pc) =	sbr.ind lr, $3  }
0x3a: {  	_ = 	snop  }
0x3b: {  	_ = 	snop  }
0x3c: {  	p2 =	seq.s32 s10, $0x1;
	s10 =	sld [smem:$0x3FB3]  }
0x3d: {  	_ =	shalt  }
0x3e: {  	_ =	shalt  }
0x3f: {  	_ =	shalt  }
0x40: {  	_ =	shalt  }
0x41: {  	_ =	shalt  }
0x42: {  	_ =	shalt  }
0x43: {  	_ =	shalt  }
0x44: {  	_ =	shalt  }
0x45: {  	_ =	shalt  }
0x46: {  	_ =	shalt  }
0x47: {  	_ =	shalt  }
0x48: {  	_ =	shalt  }
0x49: {  	_ =	shalt  }
0x4a: {  	_ =	shalt  }
0x4b: {  	_ =	shalt  }
0x4c: {  	_ =	shalt  }
0x4d: {  	_ =	shalt  }
0x4e: {  	_ =	shalt  }
0x4f: {  	_ =	shalt  }
0x50: {  	_ =	shalt  }
0x51: {  	_ =	shalt  }
0x52: {  	_ =	shalt  }
0x53: {  	_ =	shalt  }
0x54: {  	_ =	shalt  }
0x55: {  	_ =	shalt  }
0x56: {  	_ =	shalt  }
0x57: {  	_ =	shalt  }
0x58: {  	_ =	shalt  }
0x59: {  	_ =	shalt  }
0x5a: {  	_ =	shalt  }
0x5b: {  	_ =	shalt  }
0x5c: {  	_ =	shalt  }
0x5d: {  	_ =	shalt  }
0x5e: {  	_ =	shalt  }
0x5f: {  	_ =	shalt  }
0x60: {  	_ =	shalt  }
0x61: {  	_ =	shalt  }
0x62: {  	_ =	shalt  }
0x63: {  	_ =	shalt  }
0x64: {  	_ =	shalt  }
0x65: {  	_ =	shalt  }
0x66: {  	_ =	shalt  }
0x67: {  	_ =	shalt  }
0x68: {  	_ =	shalt  }
0x69: {  	_ =	shalt  }
0x6a: {  	_ =	shalt  }
0x6b: {  	_ =	shalt  }
0x6c: {  	_ =	shalt  }
0x6d: {  	_ =	shalt  }
0x6e: {  	_ =	shalt  }
0x6f: {  	_ =	shalt  }
0x70: {  	_ =	shalt  }
0x71: {  	_ =	shalt  }
0x72: {  	_ =	shalt  }
0x73: {  	_ =	shalt  }
0x74: {  	_ =	shalt  }
0x75: {  	_ =	shalt  }
0x76: {  	_ =	shalt  }
0x77: {  	_ =	shalt  }
0x78: {  	_ =	shalt  }
0x79: {  	_ =	shalt  }
0x7a: {  	_ =	shalt  }
0x7b: {  	_ =	shalt  }
0x7c: {  	_ =	shalt  }
0x7d: {  	_ =	shalt  }
0x7e: {  	_ =	shalt  }
0x7f: {  	_ =	shalt  }
0x80: {  	_ =	shalt  }
0x81: {  	_ =	shalt  }
0x82: {  	_ =	shalt  }
0x83: {  	_ =	shalt  }
0x84: {  	_ =	shalt  }
0x85: {  	_ =	shalt  }
0x86: {  	_ =	shalt  }
0x87: {  	_ =	shalt  }
.Lfunc_end0:
.L_simem_size_0:
called_computation_lowered:
.L_overlay_start_0:
0x88: {  	s2 =	sld [smem:$0x3FD9]  }
0x89: {  	s3 =	sld [smem:$0x3FFE];
	_ =	sdelay $0x1  }
0x8a: {  	s1 =	srdreg.scid  }
0x8b: {  	s0 =	sand.u32 $0x1, s1  }
0x8c: {  	s16 =	sshll.u32 s0, $0xA;
	s2 =	sadd.s32 s3, s2  }
0x8d: {  	s2 =	sadd.s32 s2, s16  }
0x8e: {  	[smem:$0x3FBF] =	sst s2  }
0x8f: {  	_ = 	snop  }
0x90: {  	(tm) =	ssettm $0x1  }
0x91: {  	s17 =	sld [smem:$0x3FFB];
	_ =	sdelay $0x3  }
0x92: {  	_ =	strace s17  }
0x93: {  	s2 =	sld [smem:$0x3FFC];
	_ =	sdelay $0x3  }
0x94: {  	_ =	strace s2  }
0x95: {  	s2 =	sld [smem:$0x3FFD];
	_ =	sdelay $0x3  }
0x96: {  	_ =	strace s2  }
0x97: {  	_ =	strace $0x8FFFFFFF  }
0x98: {  	s18 =	sld [smem:$0x3FDB];
	_ =	sdelay $0x1  }
0x99: {  	s19 =	simm.s32 $_scs_section_size  }
0x9a: {  	s4 =	simm.s32 $_size__tile_overlayer_lowered;
	s5 =	simm.s32 $_tile_overlayer_lowered  }
0x9b: {  	s22 =	simm.s32 $0x1BFF;
	s21 =	sshll.u32 s5, $0x1;
	s2 =	sadd.s32 s19, s18  }
0x9c: {  	s6 =	simm.s32 $0x0;
	s20 =	sshll.u32 s4, $0x1;
	s4 =	sadd.s32 s21, s2  }
0x9d: {  	[timem:s6], [sflag:s22] =	dma.local [hbm:s4], s20  }
0x9e: {  	_ =	swait.ge [sflag:s22], s20  }
0x9f: {  	s3 =	ssub.s32 $0x0, s20;
	[sflag:s22] =	ssyncset.done $0x0  }
0xa0: {  	[sflag:s22] =	ssyncadd.s32 s3;
	_ =	sdelay $0x1  }
0xa1: {  	s23 =	simm.s32 $0x1B8B  }
0xa2: {  	_ =	swait.ge [sflag:s23], $0x1  }
0xa3: {  	[sflag:s23] =	ssyncset.done $0x0  }
0xa4: {  	s25 =	simm.s32 $0x1B8E;
	s24 =	sld [smem:$0x3FFE];
	[sflag:s23] =	ssyncadd.s32 $0xFFFFFFFF  }
0xa5: {  	s26 =	simm.s32 $execute0_lowered;
	[smem:$0x3FD2] =	sst s25  }
0xa6: {  	s4 =	sshll.u32 s26, $0x1;
	_ =	strace $0x80000046;
	[dreg:$0x1] =	wrdreg $0xFFFFFFFF  }
0xa7: {  	s28 =	simm.s32 $_size_execute0_lowered;
	s2 =	sadd.s32 s2, s4;
	[dreg:$0x0] =	wrdreg $0x0  }
0xa8: {  	s4 =	sshll.u32 s28, $0x1;
	[dreg:$0x2] =	wrdreg s2  }
0xa9: {  	[dreg:$0x3] =	wrdreg s4  }
0xaa: {  	[dreg:$0x4] =	wrdreg $0xC0  }
0xab: {  	_ =	task [dreg:s6], $0x5FFFF  }
0xac: {  	[dreg:$0x1] =	wrdreg $0xFFFFFFFF  }
0xad: {  	[dreg:$0x0] =	wrdreg $0x60  }
0xae: {  	[dreg:$0x2] =	wrdreg s24  }
0xaf: {  	[dreg:$0x3] =	wrdreg $0x9  }
0xb0: {  	_ =	task.clear_ibuf [dreg:s6], $0x4FFFF;
	_ =	strace $0x90000046  }
0xb1: {  	s29 =	simm.s32 $0x9;
	_ =	strace $0x80000048  }
0xb2: {  	_ =	swait.ge [sflag:s29], $0x1  }
0xb3: {  	[sflag:s29] =	ssyncadd.s32 $0xFFFFFFFF  }
0xb4: {  	_ =	strace $0x90000048  }
0xb5: {  	_ =	sfence  }
0xb6: {  	s30 =	sld [smem:$0x0];
	_ =	sdelay $0x2  }
0xb7: {  	s31 =	sshll.u32 s1, $0xD;
	s1 =	sshrl.u32 s1, $0x2  }
0xb8: {  	s3 =	sand.u32 $0x4000, s31;
	s1 =	sadd.s32 s1, s30  }
0xb9: {  	s0 =	sor.u32 s3, s0;
	s1 =	sshll.u32 s1, $0x11  }
0xba: {  	s0 =	sor.u32 s1, s0  }
0xbb: {  	s0 =	sadd.s32 $0x8F2B, s0  }
0xbc: {  	[sflag:s0] =	ssyncadd.remote.s32 $0x1  }
0xbd: {  	_ =	sfence.sel $0xFFFF  }
0xbe: {  	[dreg:$0x0] =	wrdreg $0xFFFFFFFF;
	(pc) =	sbr.abs _section_cstart, $3  }
0xbf: {  	[dreg:$0x1] =	wrdreg $0xFFFFFFFF  }
0xc0: {  	_ =	task.clear_ibuf [dreg:s6], $0x2FFFF;
	_ =	strace $0x9FFFFFFF  }
0xc1: {  	(tm) =	ssettm $0x7FFFFFFF  }
tec
execute0_lowered:
.L_overlay_start_1:
0x0: {  	(tag) =	ssettag $0x1  }
0x1: {  	s0 =	srdreg.scid;
	s3 =	rddreg [dreg:$0x0]  }
0x2: {  	s1 =	stileid.u32;
	s2 =	simm.s32 $0x0;
	s8 =	simm.s32 $0x1  }
0x3: {  	s4 =	sand.u32 $0x1, s0;
	s5 =	sshll.u32 s1, $0x1;
	s7 =	smul.u32 $0x2800, s1  }
0x4: {  	s9 =	simm.s32 $0x2800;
	s6 =	smul.u32 $0x28000, s4;
	s5 =	sor.u32 s4, s5  }
0x5: {  	s10 =	simm.s32 $0x0;
	[smem:$0x7FF] =	sst s2;
	s5 =	smul.u32 $0x2800, s5  }
0x6: {  	s0 =	rddreg [dreg:$0x1];
	_ =	strace $0x80000047;
	s4 =	ssub.s32 $0x2, s4  }
0x7: {  	s30 =	sshrl.u32 s4, $0x1;
	s6 =	sadd.s32 s7, s6;
	s5 =	sshrl.u32 s5, $0x3  }
0x8: {  	s31 =	ssub.s32 s4, s30;
	s6 =	sshrl.u32 s6, $0x3;
	s5 =	sadd.s32 s5, s3  }
0x9: {  	s7 =	smax.u32 s31, $0x1;
	s6 =	sadd.s32 s6, s3;
	s3 =	sadd.s32 $0x1F800, s5  }
0xa: {  	v0 =	vimm.f32 $0.0e+00;
	v1 =	vimm.f32 $1.000000000e+00;
	s4 =	sadd.s32 $0x33800, s6;
	s5 =	sadd.s32 $0x29800, s5;
	s6 =	sadd.s32 $0x3D800, s6  }
.LBB2_1:
0xb: {  	[tilespmem:s2], [sflag:$0x1] =	stream.linear.gather [hbm4b:s3+s2], $0x2800, $0x38;
	[tilespmem:$0x5000] =	vst v63  }
0xc: {  	_ =	swait.ge [sflag:s8], $0x2800  }
0xd: {  	[sflag:s8] =	ssyncset.done $0x0  }
0xe: {  	s11 =	simm.s32 $0x0;
	[sflag:s8] =	ssyncadd.s32 $0xFFFFD800  }
.LBB2_2:
0xf: {  	p0 =	sne.s32 s11, $0x9FC0  }
.Ltmp0:
0x10: {  	_ = 	snop;
	(pc) =	sbr.rel @p0 .LBB2_2-.Ltmp0, $3  }
0x11: {  	_ =	sdelay $0x1  }
0x12: {  	s12 =	sshra.s32 s11, $0x2  }
0x13: {  	s11 =	sadd.s32 $0x40, s11;
	[tilespmem:s12+$0x2800] =	vst v0  }
0x14: {  	s11 =	simm.s32 $0x0  }
.LBB2_4:
0x15: {  	s12 =	sshra.s32 s11, $0x2  }
0x16: {  	v2 =	vld [tilespmem:s12+$0x0];
	_ =	sdelay $0x7  }
0x17: {  	[tilespmem:v2+s9+$0x0] =	vst.idx.add.f32.msk $0xffff, v1  }
0x18: {  	v2 =	vld [tilespmem:s12+$0x10];
	_ =	sdelay $0x7  }
0x19: {  	[tilespmem:v2+s9+$0x0] =	vst.idx.add.f32.msk $0xffff, v1  }
0x1a: {  	v2 =	vld [tilespmem:s12+$0x20];
	_ =	sdelay $0x7  }
0x1b: {  	[tilespmem:v2+s9+$0x0] =	vst.idx.add.f32.msk $0xffff, v1  }
0x1c: {  	v2 =	vld [tilespmem:s12+$0x30];
	_ =	sdelay $0x7  }
0x1d: {  	[tilespmem:v2+s9+$0x0] =	vst.idx.add.f32.msk $0xffff, v1  }
0x1e: {  	v2 =	vld [tilespmem:s12+$0x40];
	_ =	sdelay $0x7  }
0x1f: {  	[tilespmem:v2+s9+$0x0] =	vst.idx.add.f32.msk $0xffff, v1  }
0x20: {  	v2 =	vld [tilespmem:s12+$0x50];
	_ =	sdelay $0x7  }
0x21: {  	[tilespmem:v2+s9+$0x0] =	vst.idx.add.f32.msk $0xffff, v1  }
0x22: {  	v2 =	vld [tilespmem:s12+$0x60];
	_ =	sdelay $0x7  }
0x23: {  	[tilespmem:v2+s9+$0x0] =	vst.idx.add.f32.msk $0xffff, v1  }
0x24: {  	v2 =	vld [tilespmem:s12+$0x70];
	_ =	sdelay $0x2  }
0x25: {  	p0 =	sne.s32 s11, $0x9E00  }
.Ltmp1:
0x26: {  	_ = 	snop;
	(pc) =	sbr.rel @p0 .LBB2_4-.Ltmp1, $2  }
0x27: {  	_ =	sdelay $0x2  }
0x28: {  	s11 =	sadd.s32 $0x200, s11;
	[tilespmem:v2+s9+$0x0] =	vst.idx.add.f32.msk $0xffff, v1  }
0x29: {  	s11 =	simm.s32 $0x0  }
0x2a: {  	[hbm4b:s4+s11] =	stream.linear.scatter [tilespmem:s9], [sflag:$0x1], $0x2800, $0x38;
	[tilespmem:$0x5000] =	vst v63  }
0x2b: {  	_ =	swait.ge [sflag:s8], $0x2800  }
0x2c: {  	[sflag:s8] =	ssyncset.done $0x0  }
0x2d: {  	[sflag:s8] =	ssyncadd.s32 $0xFFFFD800  }
0x2e: {  	[tilespmem:s11], [sflag:$0x1] =	stream.linear.gather [hbm4b:s5+s11], $0x2800, $0x38;
	[tilespmem:$0x5000] =	vst v63  }
0x2f: {  	_ =	swait.ge [sflag:s8], $0x2800  }
0x30: {  	[sflag:s8] =	ssyncset.done $0x0  }
0x31: {  	s12 =	simm.s32 $0x40;
	s13 =	simm.s32 $0x0;
	[sflag:s8] =	ssyncadd.s32 $0xFFFFD800  }
.LBB2_6:
0x32: {  	p0 =	sne.s32 s12, $0x9FC0;
	[tilespmem:s13+$0x2800] =	vst v0;
	s13 =	smov.u32 s12;
	s12 =	sadd.s32 $0x40, s12  }
.Ltmp2:
0x33: {  	(pc) =	sbr.rel @p0 .LBB2_6-.Ltmp2, $2  }
0x34: {  	_ =	sdelay $0x2  }
0x35: {  	s13 =	sshra.s32 s13, $0x2  }
0x36: {  	[tilespmem:s13+$0x2800] =	vst v0  }
.LBB2_8:
0x37: {  	s12 =	sshra.s32 s11, $0x2  }
0x38: {  	v2 =	vld [tilespmem:s12+$0x0];
	_ =	sdelay $0x7  }
0x39: {  	[tilespmem:v2+s9+$0x0] =	vst.idx.add.f32.msk $0xffff, v1  }
0x3a: {  	v2 =	vld [tilespmem:s12+$0x10];
	_ =	sdelay $0x7  }
0x3b: {  	[tilespmem:v2+s9+$0x0] =	vst.idx.add.f32.msk $0xffff, v1  }
0x3c: {  	v2 =	vld [tilespmem:s12+$0x20];
	_ =	sdelay $0x7  }
0x3d: {  	[tilespmem:v2+s9+$0x0] =	vst.idx.add.f32.msk $0xffff, v1  }
0x3e: {  	v2 =	vld [tilespmem:s12+$0x30];
	_ =	sdelay $0x7  }
0x3f: {  	[tilespmem:v2+s9+$0x0] =	vst.idx.add.f32.msk $0xffff, v1  }
0x40: {  	v2 =	vld [tilespmem:s12+$0x40];
	_ =	sdelay $0x7  }
0x41: {  	[tilespmem:v2+s9+$0x0] =	vst.idx.add.f32.msk $0xffff, v1  }
0x42: {  	v2 =	vld [tilespmem:s12+$0x50];
	_ =	sdelay $0x7  }
0x43: {  	[tilespmem:v2+s9+$0x0] =	vst.idx.add.f32.msk $0xffff, v1  }
0x44: {  	v2 =	vld [tilespmem:s12+$0x60];
	_ =	sdelay $0x7  }
0x45: {  	[tilespmem:v2+s9+$0x0] =	vst.idx.add.f32.msk $0xffff, v1  }
0x46: {  	v2 =	vld [tilespmem:s12+$0x70];
	_ =	sdelay $0x2  }
0x47: {  	p0 =	sne.s32 s11, $0x9E00  }
.Ltmp3:
0x48: {  	_ = 	snop;
	(pc) =	sbr.rel @p0 .LBB2_8-.Ltmp3, $2  }
0x49: {  	_ =	sdelay $0x2  }
0x4a: {  	s11 =	sadd.s32 $0x200, s11;
	[tilespmem:v2+s9+$0x0] =	vst.idx.add.f32.msk $0xffff, v1  }
0x4b: {  	s10 =	sadd.s32 $0x1, s10  }
0x4c: {  	p0 =	sne.s32 s10, s7  }
.Ltmp4:
0x4d: {  	_ = 	snop;
	(pc) =	sbr.rel @p0 .LBB2_1-.Ltmp4, $4  }
0x4e: {  	[hbm4b:s6+s2] =	stream.linear.scatter [tilespmem:s9], [sflag:$0x1], $0x2800, $0x38;
	[tilespmem:$0x5000] =	vst v63  }
0x4f: {  	_ =	swait.ge [sflag:s8], $0x2800  }
0x50: {  	[sflag:s8] =	ssyncset.done $0x0  }
0x51: {  	[sflag:s8] =	ssyncadd.s32 $0xFFFFD800  }
0x52: {  	_ =	sfence.sel $0x180000  }
0x53: {  	[bflag:$0x0] =	sbarrier.arrive $0xFFFF  }
0x54: {  	p0 =	sne.s32 s1, $0x0;
	_ =	strace $0x90000047  }
0x55: {  	s0 =	sadd.s32 @!p0 $0x100000, s0;
	[bflag:$0x2] =	sbarrier.arrive $0xFFFF  }
0x56: {  	[sflag:s0] =	ssyncadd.tile.s32 @!p0 $0x1;
	_ =	shalt  }
.Lfunc_end2:
_tile_overlayer_lowered:
.L_overlay_start_2:
0x57: {  	(tag) =	ssettag $0x2  }
0x58: {  	s0 =	rddreg [dreg:$0x0];
	s2 =	stileid.u32  }
0x59: {  	s1 =	rddreg [dreg:$0x1];
	p0 =	sne.s32 s2, $0x0  }
0x5a: {  	s3 =	rddreg [dreg:$0x2];
	[bflag:$0x3] =	sbarrier.arrive $0xFFFF;
	s2 =	simm.s32 @!p0 $0x1C01  }
0x5b: {  	[timem:s3], [sflag:s2] =	dma.local @!p0 [hbm:s0], s1  }
0x5c: {  	s0 =	simm.s32 @!p0 $0x1  }
0x5d: {  	_ =	swait.ge @!p0 [sflag:s0], s1  }
0x5e: {  	s1 =	ssub.s32 @!p0 $0x0, s1;
	[sflag:s0] =	ssyncset.done @!p0 $0x0  }
0x5f: {  	[sflag:s0] =	ssyncadd.s32 @!p0 s1  }
0x60: {  	[bflag:$0x3] =	sbarrier.arrive $0xFFFF  }
0x61: {  	_ =	shalt  }

</sc_bundles>
